<compile_context>
chip_gen: v7x
topology: tpu7x:2x2x1
jax: 0.10.2.dev20260603
libtpu: 0.0.44.dev20260713+nightly
codegen_flags: <defaults>
</compile_context>

<pallas_src>
import functools
import jax
import jax.numpy as jnp
from jax import lax
from jax.experimental import pallas as pl
from jax.experimental.pallas import tpu as pltpu
from jax.experimental.pallas import tpu_sc as plsc

_NW = 32
_NCHUNK = 8


def kernel(sample, epoch, epoch_table):
    batch, nfeat = sample.shape
    nvocab, nemb = epoch_table.shape
    nout = nfeat + nemb
    nrows = batch // _NW
    chunk = nrows // _NCHUNK
    nj = nemb // 16

    epoch_idx = jnp.full((16,), jnp.asarray(epoch, jnp.int32))

    mesh = plsc.VectorSubcoreMesh(core_axis_name="c", subcore_axis_name="s")

    @functools.partial(
        pl.kernel, mesh=mesh,
        out_type=jax.ShapeDtypeStruct((batch, nout), jnp.float32),
        scratch_types=[
            pltpu.VMEM((16,), jnp.int32),
            pltpu.VMEM((nvocab, nemb), jnp.float32),
            pltpu.VMEM((chunk, nemb), jnp.float32),
            pltpu.VMEM((_NCHUNK, chunk, nfeat), jnp.float32),
            pltpu.SemaphoreType.DMA((_NCHUNK,)),
            pltpu.SemaphoreType.DMA((_NCHUNK,)),
            pltpu.SemaphoreType.DMA((_NCHUNK,)),
        ],
    )
    def k(epoch_hbm, table_hbm, sample_hbm, out_hbm,
          idx_v, table_v, bcast_v, samp_v, sem_in, sem_out, sem_bc):
        wid = lax.axis_index("s") * 2 + lax.axis_index("c")
        base = wid * nrows

        for c in range(_NCHUNK):
            pltpu.make_async_copy(
                sample_hbm.at[pl.ds(base + c * chunk, chunk), :],
                samp_v.at[c],
                sem_in.at[c],
            ).start()

        pltpu.sync_copy(table_hbm, table_v)
        pltpu.sync_copy(epoch_hbm, idx_v)
        e_scalar = idx_v[...][0]
        row_regs = [table_v[e_scalar, pl.ds(16 * j, 16)] for j in range(nj)]

        def fill_row(r, carry):
            for j in range(nj):
                bcast_v[r, pl.ds(16 * j, 16)] = row_regs[j]
            return carry

        lax.fori_loop(0, chunk, fill_row, 0)

        for c in range(_NCHUNK):
            pltpu.make_async_copy(
                bcast_v,
                out_hbm.at[pl.ds(base + c * chunk, chunk), pl.ds(nfeat, nemb)],
                sem_bc.at[c],
            ).start()

        for c in range(_NCHUNK):
            pltpu.make_async_copy(
                sample_hbm.at[pl.ds(base + c * chunk, chunk), :],
                samp_v.at[c],
                sem_in.at[c],
            ).wait()
            pltpu.make_async_copy(
                samp_v.at[c],
                out_hbm.at[pl.ds(base + c * chunk, chunk), pl.ds(0, nfeat)],
                sem_out.at[c],
            ).start()
        for c in range(_NCHUNK):
            pltpu.make_async_copy(
                samp_v.at[c],
                out_hbm.at[pl.ds(base + c * chunk, chunk), pl.ds(0, nfeat)],
                sem_out.at[c],
            ).wait()
            pltpu.make_async_copy(
                bcast_v,
                out_hbm.at[pl.ds(base + c * chunk, chunk), pl.ds(nfeat, nemb)],
                sem_bc.at[c],
            ).wait()

    return k(epoch_idx, epoch_table, sample)

# --- scband reference (transcript-rebuilt; emitter-appended) ---
"""Pipeline reference for scband-base-feature-extractor-37615323578712 (READ-ONLY COPY).

The authoritative reference and input builder live on the scoring server;
editing this copy changes nothing except your own understanding.
"""

import jax, jax.numpy as jnp
import numpy as np

MAX_STUDENT_EPOCH = 200
EPOCH_EMB_SIZE = 64
DATA_FEATURE_SIZE = 128
BATCH = 16384

def setup_inputs(seed: int = 0) -> dict:
    key = jax.random.key(seed)
    k1, k2 = jax.random.split(key)
    sample = jax.random.normal(k1, (BATCH, DATA_FEATURE_SIZE), dtype=jnp.float32)
    epoch = 150  # python int scalar index (shape=[] int spec)
    epoch_table = jax.random.normal(k2, (MAX_STUDENT_EPOCH, EPOCH_EMB_SIZE), dtype=jnp.float32) * 0.02
    return {"sample": sample, "epoch": epoch, "epoch_table": epoch_table}

def reference(sample, epoch, epoch_table):
    # sample acts as the precomputed data embedding (abstract _get_data_embedding
    # in the base class; here it is the identity on the provided features).
    data_emb = sample
    batch_size = data_emb.shape[0]
    # nn.Embedding lookup with scalar index -> row gather
    epoch_emb = jnp.take(epoch_table, epoch, axis=0)  # [epoch_emb_size]
    # epoch_emb.unsqueeze(0).repeat(batch_size, 1)
    epoch_emb_rep = jnp.tile(epoch_emb[None, :], (batch_size, 1))
    final_emb = jnp.concatenate([data_emb, epoch_emb_rep], axis=-1)
    return final_emb

if __name__ == "__main__":
    import jax
    _d = setup_inputs()
    print(jax.jit(kernel)(*tuple(_d.values())))

</pallas_src>

<mosaic_0001>
#map = affine_map<(d0, d1) -> (0)>
#map1 = affine_map<(d0, d1) -> (0, 0)>
module attributes {stable_mosaic.version = 14 : i64} {
  func.func @k(%arg0: i32, %arg1: i32, %arg2: memref<16xi32, #tpu.memory_space<hbm>>, %arg3: memref<200x64xf32, #tpu.memory_space<hbm>>, %arg4: memref<16384x128xf32, #tpu.memory_space<hbm>>, %arg5: memref<16384x192xf32, #tpu.memory_space<hbm>>, %arg6: memref<16xi32, #tpu.memory_space<vmem>>, %arg7: memref<200x64xf32, #tpu.memory_space<vmem>>, %arg8: memref<64x64xf32, #tpu.memory_space<vmem>>, %arg9: memref<8x64x128xf32, #tpu.memory_space<vmem>>, %arg10: memref<8x!tpu.dma_semaphore, #tpu.memory_space<semaphore_mem>>, %arg11: memref<8x!tpu.dma_semaphore, #tpu.memory_space<semaphore_mem>>, %arg12: memref<8x!tpu.dma_semaphore, #tpu.memory_space<semaphore_mem>>) attributes {dimension_semantics = [#tpu.dimension_semantics<core_parallel>, #tpu.dimension_semantics<subcore_parallel>], iteration_bounds = array<i64: 2, 16>, scalar_prefetch = 0 : i64, scratch_operands = 7 : i64, tpu.core_type = #tpu.core_type<sc_vector_subcore>, window_params = [{transform_indices = #map}, {transform_indices = #map1}, {transform_indices = #map1}, {transform_indices = #map1}]} {
    %mul3A = arith.constant 2 : i32
    %mul3A_0 = arith.muli %arg1, %mul3A : i32
    %add3A = arith.addi %mul3A_0, %arg0 : i32
    %mul3A_1 = arith.constant 512 : i32
    %mul3A_2 = arith.muli %add3A, %mul3A_1 : i32
    %add3A_3 = arith.constant 0 : i32
    %add3A_4 = arith.addi %mul3A_2, %add3A_3 : i32
    %dma_start3A = arith.constant 0 : i32
    %dma_start3A_5 = arith.constant 0 : i32
    %dma_start3A_6 = arith.constant 0 : i32
    %dma_start3A_7 = arith.constant 0 : i32
    %dma_start3A_8 = tpu.memref_slice %arg9[%dma_start3A, %dma_start3A_6, %dma_start3A_7] : memref<8x64x128xf32, #tpu.memory_space<vmem>> -> memref<1x64x128xf32, #tpu.memory_space<vmem>>
    %dma_start3A_9 = tpu.memref_squeeze %dma_start3A_8 : memref<1x64x128xf32, #tpu.memory_space<vmem>> -> memref<64x128xf32, #tpu.memory_space<vmem>>
    %dma_start3A_10 = arith.constant 0 : i32
    %dma_start3A_11 = tpu.memref_slice %arg4[%add3A_4, %dma_start3A_10] : memref<16384x128xf32, #tpu.memory_space<hbm>> -> memref<64x128xf32, #tpu.memory_space<hbm>>
    %dma_start3A_12 = tpu.memref_slice %arg10[%dma_start3A_5] : memref<8x!tpu.dma_semaphore, #tpu.memory_space<semaphore_mem>> -> memref<1x!tpu.dma_semaphore, #tpu.memory_space<semaphore_mem>>
    %dma_start3A_13 = tpu.memref_squeeze %dma_start3A_12 : memref<1x!tpu.dma_semaphore, #tpu.memory_space<semaphore_mem>> -> memref<!tpu.dma_semaphore, #tpu.memory_space<semaphore_mem>>
    %dma_start3A_14 = arith.constant 0 : i32
    %dma_start3A_15 = arith.constant 0 : i32
    %dma_start3A_16 = tpu.memref_slice %arg9[%dma_start3A, %dma_start3A_14, %dma_start3A_15] : memref<8x64x128xf32, #tpu.memory_space<vmem>> -> memref<1x64x128xf32, #tpu.memory_space<vmem>>
    %dma_start3A_17 = tpu.memref_squeeze %dma_start3A_16 : memref<1x64x128xf32, #tpu.memory_space<vmem>> -> memref<64x128xf32, #tpu.memory_space<vmem>>
    %dma_start3A_18 = arith.constant 0 : i32
    %dma_start3A_19 = tpu.memref_slice %arg4[%add3A_4, %dma_start3A_18] : memref<16384x128xf32, #tpu.memory_space<hbm>> -> memref<64x128xf32, #tpu.memory_space<hbm>>
    tpu.enqueue_dma source(%dma_start3A_19 : memref<64x128xf32, #tpu.memory_space<hbm>>) target(%dma_start3A_17 : memref<64x128xf32, #tpu.memory_space<vmem>>) target_semaphore(%dma_start3A_13 : memref<!tpu.dma_semaphore, #tpu.memory_space<semaphore_mem>>)
    %add3A_20 = arith.constant 64 : i32
    %add3A_21 = arith.addi %mul3A_2, %add3A_20 : i32
    %dma_start3A_22 = arith.constant 1 : i32
    %dma_start3A_23 = arith.constant 1 : i32
    %dma_start3A_24 = arith.constant 0 : i32
    %dma_start3A_25 = arith.constant 0 : i32
    %dma_start3A_26 = tpu.memref_slice %arg9[%dma_start3A_22, %dma_start3A_24, %dma_start3A_25] : memref<8x64x128xf32, #tpu.memory_space<vmem>> -> memref<1x64x128xf32, #tpu.memory_space<vmem>>
    %dma_start3A_27 = tpu.memref_squeeze %dma_start3A_26 : memref<1x64x128xf32, #tpu.memory_space<vmem>> -> memref<64x128xf32, #tpu.memory_space<vmem>>
    %dma_start3A_28 = arith.constant 0 : i32
    %dma_start3A_29 = tpu.memref_slice %arg4[%add3A_21, %dma_start3A_28] : memref<16384x128xf32, #tpu.memory_space<hbm>> -> memref<64x128xf32, #tpu.memory_space<hbm>>
    %dma_start3A_30 = tpu.memref_slice %arg10[%dma_start3A_23] : memref<8x!tpu.dma_semaphore, #tpu.memory_space<semaphore_mem>> -> memref<1x!tpu.dma_semaphore, #tpu.memory_space<semaphore_mem>>
    %dma_start3A_31 = tpu.memref_squeeze %dma_start3A_30 : memref<1x!tpu.dma_semaphore, #tpu.memory_space<semaphore_mem>> -> memref<!tpu.dma_semaphore, #tpu.memory_space<semaphore_mem>>
    %dma_start3A_32 = arith.constant 0 : i32
    %dma_start3A_33 = arith.constant 0 : i32
    %dma_start3A_34 = tpu.memref_slice %arg9[%dma_start3A_22, %dma_start3A_32, %dma_start3A_33] : memref<8x64x128xf32, #tpu.memory_space<vmem>> -> memref<1x64x128xf32, #tpu.memory_space<vmem>>
    %dma_start3A_35 = tpu.memref_squeeze %dma_start3A_34 : memref<1x64x128xf32, #tpu.memory_space<vmem>> -> memref<64x128xf32, #tpu.memory_space<vmem>>
    %dma_start3A_36 = arith.constant 0 : i32
    %dma_start3A_37 = tpu.memref_slice %arg4[%add3A_21, %dma_start3A_36] : memref<16384x128xf32, #tpu.memory_space<hbm>> -> memref<64x128xf32, #tpu.memory_space<hbm>>
    tpu.enqueue_dma source(%dma_start3A_37 : memref<64x128xf32, #tpu.memory_space<hbm>>) target(%dma_start3A_35 : memref<64x128xf32, #tpu.memory_space<vmem>>) target_semaphore(%dma_start3A_31 : memref<!tpu.dma_semaphore, #tpu.memory_space<semaphore_mem>>)
    %add3A_38 = arith.constant 128 : i32
    %add3A_39 = arith.addi %mul3A_2, %add3A_38 : i32
    %dma_start3A_40 = arith.constant 2 : i32
    %dma_start3A_41 = arith.constant 2 : i32
    %dma_start3A_42 = arith.constant 0 : i32
    %dma_start3A_43 = arith.constant 0 : i32
    %dma_start3A_44 = tpu.memref_slice %arg9[%dma_start3A_40, %dma_start3A_42, %dma_start3A_43] : memref<8x64x128xf32, #tpu.memory_space<vmem>> -> memref<1x64x128xf32, #tpu.memory_space<vmem>>
    %dma_start3A_45 = tpu.memref_squeeze %dma_start3A_44 : memref<1x64x128xf32, #tpu.memory_space<vmem>> -> memref<64x128xf32, #tpu.memory_space<vmem>>
    %dma_start3A_46 = arith.constant 0 : i32
    %dma_start3A_47 = tpu.memref_slice %arg4[%add3A_39, %dma_start3A_46] : memref<16384x128xf32, #tpu.memory_space<hbm>> -> memref<64x128xf32, #tpu.memory_space<hbm>>
    %dma_start3A_48 = tpu.memref_slice %arg10[%dma_start3A_41] : memref<8x!tpu.dma_semaphore, #tpu.memory_space<semaphore_mem>> -> memref<1x!tpu.dma_semaphore, #tpu.memory_space<semaphore_mem>>
    %dma_start3A_49 = tpu.memref_squeeze %dma_start3A_48 : memref<1x!tpu.dma_semaphore, #tpu.memory_space<semaphore_mem>> -> memref<!tpu.dma_semaphore, #tpu.memory_space<semaphore_mem>>
    %dma_start3A_50 = arith.constant 0 : i32
    %dma_start3A_51 = arith.constant 0 : i32
    %dma_start3A_52 = tpu.memref_slice %arg9[%dma_start3A_40, %dma_start3A_50, %dma_start3A_51] : memref<8x64x128xf32, #tpu.memory_space<vmem>> -> memref<1x64x128xf32, #tpu.memory_space<vmem>>
    %dma_start3A_53 = tpu.memref_squeeze %dma_start3A_52 : memref<1x64x128xf32, #tpu.memory_space<vmem>> -> memref<64x128xf32, #tpu.memory_space<vmem>>
    %dma_start3A_54 = arith.constant 0 : i32
    %dma_start3A_55 = tpu.memref_slice %arg4[%add3A_39, %dma_start3A_54] : memref<16384x128xf32, #tpu.memory_space<hbm>> -> memref<64x128xf32, #tpu.memory_space<hbm>>
    tpu.enqueue_dma source(%dma_start3A_55 : memref<64x128xf32, #tpu.memory_space<hbm>>) target(%dma_start3A_53 : memref<64x128xf32, #tpu.memory_space<vmem>>) target_semaphore(%dma_start3A_49 : memref<!tpu.dma_semaphore, #tpu.memory_space<semaphore_mem>>)
    %add3A_56 = arith.constant 192 : i32
    %add3A_57 = arith.addi %mul3A_2, %add3A_56 : i32
    %dma_start3A_58 = arith.constant 3 : i32
    %dma_start3A_59 = arith.constant 3 : i32
    %dma_start3A_60 = arith.constant 0 : i32
    %dma_start3A_61 = arith.constant 0 : i32
    %dma_start3A_62 = tpu.memref_slice %arg9[%dma_start3A_58, %dma_start3A_60, %dma_start3A_61] : memref<8x64x128xf32, #tpu.memory_space<vmem>> -> memref<1x64x128xf32, #tpu.memory_space<vmem>>
    %dma_start3A_63 = tpu.memref_squeeze %dma_start3A_62 : memref<1x64x128xf32, #tpu.memory_space<vmem>> -> memref<64x128xf32, #tpu.memory_space<vmem>>
    %dma_start3A_64 = arith.constant 0 : i32
    %dma_start3A_65 = tpu.memref_slice %arg4[%add3A_57, %dma_start3A_64] : memref<16384x128xf32, #tpu.memory_space<hbm>> -> memref<64x128xf32, #tpu.memory_space<hbm>>
    %dma_start3A_66 = tpu.memref_slice %arg10[%dma_start3A_59] : memref<8x!tpu.dma_semaphore, #tpu.memory_space<semaphore_mem>> -> memref<1x!tpu.dma_semaphore, #tpu.memory_space<semaphore_mem>>
    %dma_start3A_67 = tpu.memref_squeeze %dma_start3A_66 : memref<1x!tpu.dma_semaphore, #tpu.memory_space<semaphore_mem>> -> memref<!tpu.dma_semaphore, #tpu.memory_space<semaphore_mem>>
    %dma_start3A_68 = arith.constant 0 : i32
    %dma_start3A_69 = arith.constant 0 : i32
    %dma_start3A_70 = tpu.memref_slice %arg9[%dma_start3A_58, %dma_start3A_68, %dma_start3A_69] : memref<8x64x128xf32, #tpu.memory_space<vmem>> -> memref<1x64x128xf32, #tpu.memory_space<vmem>>
    %dma_start3A_71 = tpu.memref_squeeze %dma_start3A_70 : memref<1x64x128xf32, #tpu.memory_space<vmem>> -> memref<64x128xf32, #tpu.memory_space<vmem>>
    %dma_start3A_72 = arith.constant 0 : i32
    %dma_start3A_73 = tpu.memref_slice %arg4[%add3A_57, %dma_start3A_72] : memref<16384x128xf32, #tpu.memory_space<hbm>> -> memref<64x128xf32, #tpu.memory_space<hbm>>
    tpu.enqueue_dma source(%dma_start3A_73 : memref<64x128xf32, #tpu.memory_space<hbm>>) target(%dma_start3A_71 : memref<64x128xf32, #tpu.memory_space<vmem>>) target_semaphore(%dma_start3A_67 : memref<!tpu.dma_semaphore, #tpu.memory_space<semaphore_mem>>)
    %add3A_74 = arith.constant 256 : i32
    %add3A_75 = arith.addi %mul3A_2, %add3A_74 : i32
    %dma_start3A_76 = arith.constant 4 : i32
    %dma_start3A_77 = arith.constant 4 : i32
    %dma_start3A_78 = arith.constant 0 : i32
    %dma_start3A_79 = arith.constant 0 : i32
    %dma_start3A_80 = tpu.memref_slice %arg9[%dma_start3A_76, %dma_start3A_78, %dma_start3A_79] : memref<8x64x128xf32, #tpu.memory_space<vmem>> -> memref<1x64x128xf32, #tpu.memory_space<vmem>>
    %dma_start3A_81 = tpu.memref_squeeze %dma_start3A_80 : memref<1x64x128xf32, #tpu.memory_space<vmem>> -> memref<64x128xf32, #tpu.memory_space<vmem>>
    %dma_start3A_82 = arith.constant 0 : i32
    %dma_start3A_83 = tpu.memref_slice %arg4[%add3A_75, %dma_start3A_82] : memref<16384x128xf32, #tpu.memory_space<hbm>> -> memref<64x128xf32, #tpu.memory_space<hbm>>
    %dma_start3A_84 = tpu.memref_slice %arg10[%dma_start3A_77] : memref<8x!tpu.dma_semaphore, #tpu.memory_space<semaphore_mem>> -> memref<1x!tpu.dma_semaphore, #tpu.memory_space<semaphore_mem>>
    %dma_start3A_85 = tpu.memref_squeeze %dma_start3A_84 : memref<1x!tpu.dma_semaphore, #tpu.memory_space<semaphore_mem>> -> memref<!tpu.dma_semaphore, #tpu.memory_space<semaphore_mem>>
    %dma_start3A_86 = arith.constant 0 : i32
    %dma_start3A_87 = arith.constant 0 : i32
    %dma_start3A_88 = tpu.memref_slice %arg9[%dma_start3A_76, %dma_start3A_86, %dma_start3A_87] : memref<8x64x128xf32, #tpu.memory_space<vmem>> -> memref<1x64x128xf32, #tpu.memory_space<vmem>>
    %dma_start3A_89 = tpu.memref_squeeze %dma_start3A_88 : memref<1x64x128xf32, #tpu.memory_space<vmem>> -> memref<64x128xf32, #tpu.memory_space<vmem>>
    %dma_start3A_90 = arith.constant 0 : i32
    %dma_start3A_91 = tpu.memref_slice %arg4[%add3A_75, %dma_start3A_90] : memref<16384x128xf32, #tpu.memory_space<hbm>> -> memref<64x128xf32, #tpu.memory_space<hbm>>
    tpu.enqueue_dma source(%dma_start3A_91 : memref<64x128xf32, #tpu.memory_space<hbm>>) target(%dma_start3A_89 : memref<64x128xf32, #tpu.memory_space<vmem>>) target_semaphore(%dma_start3A_85 : memref<!tpu.dma_semaphore, #tpu.memory_space<semaphore_mem>>)
    %add3A_92 = arith.constant 320 : i32
    %add3A_93 = arith.addi %mul3A_2, %add3A_92 : i32
    %dma_start3A_94 = arith.constant 5 : i32
    %dma_start3A_95 = arith.constant 5 : i32
    %dma_start3A_96 = arith.constant 0 : i32
    %dma_start3A_97 = arith.constant 0 : i32
    %dma_start3A_98 = tpu.memref_slice %arg9[%dma_start3A_94, %dma_start3A_96, %dma_start3A_97] : memref<8x64x128xf32, #tpu.memory_space<vmem>> -> memref<1x64x128xf32, #tpu.memory_space<vmem>>
    %dma_start3A_99 = tpu.memref_squeeze %dma_start3A_98 : memref<1x64x128xf32, #tpu.memory_space<vmem>> -> memref<64x128xf32, #tpu.memory_space<vmem>>
    %dma_start3A_100 = arith.constant 0 : i32
    %dma_start3A_101 = tpu.memref_slice %arg4[%add3A_93, %dma_start3A_100] : memref<16384x128xf32, #tpu.memory_space<hbm>> -> memref<64x128xf32, #tpu.memory_space<hbm>>
    %dma_start3A_102 = tpu.memref_slice %arg10[%dma_start3A_95] : memref<8x!tpu.dma_semaphore, #tpu.memory_space<semaphore_mem>> -> memref<1x!tpu.dma_semaphore, #tpu.memory_space<semaphore_mem>>
    %dma_start3A_103 = tpu.memref_squeeze %dma_start3A_102 : memref<1x!tpu.dma_semaphore, #tpu.memory_space<semaphore_mem>> -> memref<!tpu.dma_semaphore, #tpu.memory_space<semaphore_mem>>
    %dma_start3A_104 = arith.constant 0 : i32
    %dma_start3A_105 = arith.constant 0 : i32
    %dma_start3A_106 = tpu.memref_slice %arg9[%dma_start3A_94, %dma_start3A_104, %dma_start3A_105] : memref<8x64x128xf32, #tpu.memory_space<vmem>> -> memref<1x64x128xf32, #tpu.memory_space<vmem>>
    %dma_start3A_107 = tpu.memref_squeeze %dma_start3A_106 : memref<1x64x128xf32, #tpu.memory_space<vmem>> -> memref<64x128xf32, #tpu.memory_space<vmem>>
    %dma_start3A_108 = arith.constant 0 : i32
    %dma_start3A_109 = tpu.memref_slice %arg4[%add3A_93, %dma_start3A_108] : memref<16384x128xf32, #tpu.memory_space<hbm>> -> memref<64x128xf32, #tpu.memory_space<hbm>>
    tpu.enqueue_dma source(%dma_start3A_109 : memref<64x128xf32, #tpu.memory_space<hbm>>) target(%dma_start3A_107 : memref<64x128xf32, #tpu.memory_space<vmem>>) target_semaphore(%dma_start3A_103 : memref<!tpu.dma_semaphore, #tpu.memory_space<semaphore_mem>>)
    %add3A_110 = arith.constant 384 : i32
    %add3A_111 = arith.addi %mul3A_2, %add3A_110 : i32
    %dma_start3A_112 = arith.constant 6 : i32
    %dma_start3A_113 = arith.constant 6 : i32
    %dma_start3A_114 = arith.constant 0 : i32
    %dma_start3A_115 = arith.constant 0 : i32
    %dma_start3A_116 = tpu.memref_slice %arg9[%dma_start3A_112, %dma_start3A_114, %dma_start3A_115] : memref<8x64x128xf32, #tpu.memory_space<vmem>> -> memref<1x64x128xf32, #tpu.memory_space<vmem>>
    %dma_start3A_117 = tpu.memref_squeeze %dma_start3A_116 : memref<1x64x128xf32, #tpu.memory_space<vmem>> -> memref<64x128xf32, #tpu.memory_space<vmem>>
    %dma_start3A_118 = arith.constant 0 : i32
    %dma_start3A_119 = tpu.memref_slice %arg4[%add3A_111, %dma_start3A_118] : memref<16384x128xf32, #tpu.memory_space<hbm>> -> memref<64x128xf32, #tpu.memory_space<hbm>>
    %dma_start3A_120 = tpu.memref_slice %arg10[%dma_start3A_113] : memref<8x!tpu.dma_semaphore, #tpu.memory_space<semaphore_mem>> -> memref<1x!tpu.dma_semaphore, #tpu.memory_space<semaphore_mem>>
    %dma_start3A_121 = tpu.memref_squeeze %dma_start3A_120 : memref<1x!tpu.dma_semaphore, #tpu.memory_space<semaphore_mem>> -> memref<!tpu.dma_semaphore, #tpu.memory_space<semaphore_mem>>
    %dma_start3A_122 = arith.constant 0 : i32
    %dma_start3A_123 = arith.constant 0 : i32
    %dma_start3A_124 = tpu.memref_slice %arg9[%dma_start3A_112, %dma_start3A_122, %dma_start3A_123] : memref<8x64x128xf32, #tpu.memory_space<vmem>> -> memref<1x64x128xf32, #tpu.memory_space<vmem>>
    %dma_start3A_125 = tpu.memref_squeeze %dma_start3A_124 : memref<1x64x128xf32, #tpu.memory_space<vmem>> -> memref<64x128xf32, #tpu.memory_space<vmem>>
    %dma_start3A_126 = arith.constant 0 : i32
    %dma_start3A_127 = tpu.memref_slice %arg4[%add3A_111, %dma_start3A_126] : memref<16384x128xf32, #tpu.memory_space<hbm>> -> memref<64x128xf32, #tpu.memory_space<hbm>>
    tpu.enqueue_dma source(%dma_start3A_127 : memref<64x128xf32, #tpu.memory_space<hbm>>) target(%dma_start3A_125 : memref<64x128xf32, #tpu.memory_space<vmem>>) target_semaphore(%dma_start3A_121 : memref<!tpu.dma_semaphore, #tpu.memory_space<semaphore_mem>>)
    %add3A_128 = arith.constant 448 : i32
    %add3A_129 = arith.addi %mul3A_2, %add3A_128 : i32
    %dma_start3A_130 = arith.constant 7 : i32
    %dma_start3A_131 = arith.constant 7 : i32
    %dma_start3A_132 = arith.constant 0 : i32
    %dma_start3A_133 = arith.constant 0 : i32
    %dma_start3A_134 = tpu.memref_slice %arg9[%dma_start3A_130, %dma_start3A_132, %dma_start3A_133] : memref<8x64x128xf32, #tpu.memory_space<vmem>> -> memref<1x64x128xf32, #tpu.memory_space<vmem>>
    %dma_start3A_135 = tpu.memref_squeeze %dma_start3A_134 : memref<1x64x128xf32, #tpu.memory_space<vmem>> -> memref<64x128xf32, #tpu.memory_space<vmem>>
    %dma_start3A_136 = arith.constant 0 : i32
    %dma_start3A_137 = tpu.memref_slice %arg4[%add3A_129, %dma_start3A_136] : memref<16384x128xf32, #tpu.memory_space<hbm>> -> memref<64x128xf32, #tpu.memory_space<hbm>>
    %dma_start3A_138 = tpu.memref_slice %arg10[%dma_start3A_131] : memref<8x!tpu.dma_semaphore, #tpu.memory_space<semaphore_mem>> -> memref<1x!tpu.dma_semaphore, #tpu.memory_space<semaphore_mem>>
    %dma_start3A_139 = tpu.memref_squeeze %dma_start3A_138 : memref<1x!tpu.dma_semaphore, #tpu.memory_space<semaphore_mem>> -> memref<!tpu.dma_semaphore, #tpu.memory_space<semaphore_mem>>
    %dma_start3A_140 = arith.constant 0 : i32
    %dma_start3A_141 = arith.constant 0 : i32
    %dma_start3A_142 = tpu.memref_slice %arg9[%dma_start3A_130, %dma_start3A_140, %dma_start3A_141] : memref<8x64x128xf32, #tpu.memory_space<vmem>> -> memref<1x64x128xf32, #tpu.memory_space<vmem>>
    %dma_start3A_143 = tpu.memref_squeeze %dma_start3A_142 : memref<1x64x128xf32, #tpu.memory_space<vmem>> -> memref<64x128xf32, #tpu.memory_space<vmem>>
    %dma_start3A_144 = arith.constant 0 : i32
    %dma_start3A_145 = tpu.memref_slice %arg4[%add3A_129, %dma_start3A_144] : memref<16384x128xf32, #tpu.memory_space<hbm>> -> memref<64x128xf32, #tpu.memory_space<hbm>>
    tpu.enqueue_dma source(%dma_start3A_145 : memref<64x128xf32, #tpu.memory_space<hbm>>) target(%dma_start3A_143 : memref<64x128xf32, #tpu.memory_space<vmem>>) target_semaphore(%dma_start3A_139 : memref<!tpu.dma_semaphore, #tpu.memory_space<semaphore_mem>>)
    "tpu.region"() ({
      %run_scoped3A = tpu.sem_alloc : memref<!tpu.dma_semaphore, #tpu.memory_space<semaphore_mem>>
      tpu.enqueue_dma source(%arg3 : memref<200x64xf32, #tpu.memory_space<hbm>>) target(%arg7 : memref<200x64xf32, #tpu.memory_space<vmem>>) target_semaphore(%run_scoped3A : memref<!tpu.dma_semaphore, #tpu.memory_space<semaphore_mem>>)
      tpu.wait_dma2 semaphore(%run_scoped3A : memref<!tpu.dma_semaphore, #tpu.memory_space<semaphore_mem>>) src(%arg3 : memref<200x64xf32, #tpu.memory_space<hbm>>) dst(%arg7 : memref<200x64xf32, #tpu.memory_space<vmem>>)
      tpu.yield
    }) : () -> ()
    "tpu.region"() ({
      %run_scoped3A = tpu.sem_alloc : memref<!tpu.dma_semaphore, #tpu.memory_space<semaphore_mem>>
      tpu.enqueue_dma source(%arg2 : memref<16xi32, #tpu.memory_space<hbm>>) target(%arg6 : memref<16xi32, #tpu.memory_space<vmem>>) target_semaphore(%run_scoped3A : memref<!tpu.dma_semaphore, #tpu.memory_space<semaphore_mem>>)
      tpu.wait_dma2 semaphore(%run_scoped3A : memref<!tpu.dma_semaphore, #tpu.memory_space<semaphore_mem>>) src(%arg2 : memref<16xi32, #tpu.memory_space<hbm>>) dst(%arg6 : memref<16xi32, #tpu.memory_space<vmem>>)
      tpu.yield
    }) : () -> ()
    %get3A = arith.constant 0 : index
    %get3A_146 = tpu.vector_load %arg6[%get3A] {strides = array<i32>} : memref<16xi32, #tpu.memory_space<vmem>>, vector<16xi32>,
    %get3A_147 = vector.shape_cast %get3A_146 : vector<16xi32> to vector<16xi32>
    %slice3A = vector.extract_strided_slice %get3A_147 {offsets = [0], sizes = [1], strides = [1]} : vector<16xi32> to vector<1xi32>
    %squeeze3A = vector.extract %slice3A[0] : i32 from vector<1xi32>
    %get3A_148 = arith.index_cast %squeeze3A : i32 to index
    %get3A_149 = arith.constant 0 : index
    %get3A_150 = tpu.vector_load %arg7[%get3A_148, %get3A_149] {strides = array<i32>} : memref<200x64xf32, #tpu.memory_space<vmem>>, vector<1x16xf32>,
    %get3A_151 = vector.shape_cast %get3A_150 : vector<1x16xf32> to vector<16xf32>
    %get3A_152 = arith.index_cast %squeeze3A : i32 to index
    %get3A_153 = arith.constant 16 : index
    %get3A_154 = tpu.vector_load %arg7[%get3A_152, %get3A_153] {strides = array<i32>} : memref<200x64xf32, #tpu.memory_space<vmem>>, vector<1x16xf32>,
    %get3A_155 = vector.shape_cast %get3A_154 : vector<1x16xf32> to vector<16xf32>
    %get3A_156 = arith.index_cast %squeeze3A : i32 to index
    %get3A_157 = arith.constant 32 : index
    %get3A_158 = tpu.vector_load %arg7[%get3A_156, %get3A_157] {strides = array<i32>} : memref<200x64xf32, #tpu.memory_space<vmem>>, vector<1x16xf32>,
    %get3A_159 = vector.shape_cast %get3A_158 : vector<1x16xf32> to vector<16xf32>
    %get3A_160 = arith.index_cast %squeeze3A : i32 to index
    %get3A_161 = arith.constant 48 : index
    %get3A_162 = tpu.vector_load %arg7[%get3A_160, %get3A_161] {strides = array<i32>} : memref<200x64xf32, #tpu.memory_space<vmem>>, vector<1x16xf32>,
    %get3A_163 = vector.shape_cast %get3A_162 : vector<1x16xf32> to vector<16xf32>
    %scan3A = arith.constant 0 : i32
    %scan3A_164 = arith.constant 0 : i32
    %scan3A_165 = arith.constant 64 : i32
    %scan3A_166 = arith.addi %scan3A_164, %scan3A_165 : i32
    %scan3A_167 = arith.constant 1 : i32
    scf.for %scan3A_744 = %scan3A_164 to %scan3A_166 step %scan3A_167  : i32 {
      %swap3A = arith.index_cast %scan3A_744 : i32 to index
      %swap3A_745 = arith.constant 0 : index
      %swap3A_746 = tpu.vector_load %arg8[%swap3A, %swap3A_745] {strides = array<i32>} : memref<64x64xf32, #tpu.memory_space<vmem>>, vector<1x16xf32>,
      %swap3A_747 = vector.shape_cast %swap3A_746 : vector<1x16xf32> to vector<16xf32>
      %swap3A_748 = vector.shape_cast %get3A_151 : vector<16xf32> to vector<1x16xf32>
      tpu.vector_store %arg8[%swap3A, %swap3A_745], %swap3A_748 {strides = array<i32>} : memref<64x64xf32, #tpu.memory_space<vmem>>, vector<1x16xf32>,
      %swap3A_749 = arith.index_cast %scan3A_744 : i32 to index
      %swap3A_750 = arith.constant 16 : index
      %swap3A_751 = tpu.vector_load %arg8[%swap3A_749, %swap3A_750] {strides = array<i32>} : memref<64x64xf32, #tpu.memory_space<vmem>>, vector<1x16xf32>,
      %swap3A_752 = vector.shape_cast %swap3A_751 : vector<1x16xf32> to vector<16xf32>
      %swap3A_753 = vector.shape_cast %get3A_155 : vector<16xf32> to vector<1x16xf32>
      tpu.vector_store %arg8[%swap3A_749, %swap3A_750], %swap3A_753 {strides = array<i32>} : memref<64x64xf32, #tpu.memory_space<vmem>>, vector<1x16xf32>,
      %swap3A_754 = arith.index_cast %scan3A_744 : i32 to index
      %swap3A_755 = arith.constant 32 : index
      %swap3A_756 = tpu.vector_load %arg8[%swap3A_754, %swap3A_755] {strides = array<i32>} : memref<64x64xf32, #tpu.memory_space<vmem>>, vector<1x16xf32>,
      %swap3A_757 = vector.shape_cast %swap3A_756 : vector<1x16xf32> to vector<16xf32>
      %swap3A_758 = vector.shape_cast %get3A_159 : vector<16xf32> to vector<1x16xf32>
      tpu.vector_store %arg8[%swap3A_754, %swap3A_755], %swap3A_758 {strides = array<i32>} : memref<64x64xf32, #tpu.memory_space<vmem>>, vector<1x16xf32>,
      %swap3A_759 = arith.index_cast %scan3A_744 : i32 to index
      %swap3A_760 = arith.constant 48 : index
      %swap3A_761 = tpu.vector_load %arg8[%swap3A_759, %swap3A_760] {strides = array<i32>} : memref<64x64xf32, #tpu.memory_space<vmem>>, vector<1x16xf32>,
      %swap3A_762 = vector.shape_cast %swap3A_761 : vector<1x16xf32> to vector<16xf32>
      %swap3A_763 = vector.shape_cast %get3A_163 : vector<16xf32> to vector<1x16xf32>
      tpu.vector_store %arg8[%swap3A_759, %swap3A_760], %swap3A_763 {strides = array<i32>} : memref<64x64xf32, #tpu.memory_space<vmem>>, vector<1x16xf32>,
    }
    %scan3A_168 = arith.constant 64 : i32
    %add3A_169 = arith.constant 0 : i32
    %add3A_170 = arith.addi %mul3A_2, %add3A_169 : i32
    %dma_start3A_171 = arith.constant 0 : i32
    %dma_start3A_172 = arith.constant 128 : i32
    %dma_start3A_173 = tpu.memref_slice %arg5[%add3A_170, %dma_start3A_172] : memref<16384x192xf32, #tpu.memory_space<hbm>> -> memref<64x64xf32, #tpu.memory_space<hbm>>
    %dma_start3A_174 = tpu.memref_slice %arg12[%dma_start3A_171] : memref<8x!tpu.dma_semaphore, #tpu.memory_space<semaphore_mem>> -> memref<1x!tpu.dma_semaphore, #tpu.memory_space<semaphore_mem>>
    %dma_start3A_175 = tpu.memref_squeeze %dma_start3A_174 : memref<1x!tpu.dma_semaphore, #tpu.memory_space<semaphore_mem>> -> memref<!tpu.dma_semaphore, #tpu.memory_space<semaphore_mem>>
    %dma_start3A_176 = arith.constant 128 : i32
    %dma_start3A_177 = tpu.memref_slice %arg5[%add3A_170, %dma_start3A_176] : memref<16384x192xf32, #tpu.memory_space<hbm>> -> memref<64x64xf32, #tpu.memory_space<hbm>>
    tpu.enqueue_dma source(%arg8 : memref<64x64xf32, #tpu.memory_space<vmem>>) target(%dma_start3A_177 : memref<64x64xf32, #tpu.memory_space<hbm>>) target_semaphore(%dma_start3A_175 : memref<!tpu.dma_semaphore, #tpu.memory_space<semaphore_mem>>)
    %add3A_178 = arith.constant 64 : i32
    %add3A_179 = arith.addi %mul3A_2, %add3A_178 : i32
    %dma_start3A_180 = arith.constant 1 : i32
    %dma_start3A_181 = arith.constant 128 : i32
    %dma_start3A_182 = tpu.memref_slice %arg5[%add3A_179, %dma_start3A_181] : memref<16384x192xf32, #tpu.memory_space<hbm>> -> memref<64x64xf32, #tpu.memory_space<hbm>>
    %dma_start3A_183 = tpu.memref_slice %arg12[%dma_start3A_180] : memref<8x!tpu.dma_semaphore, #tpu.memory_space<semaphore_mem>> -> memref<1x!tpu.dma_semaphore, #tpu.memory_space<semaphore_mem>>
    %dma_start3A_184 = tpu.memref_squeeze %dma_start3A_183 : memref<1x!tpu.dma_semaphore, #tpu.memory_space<semaphore_mem>> -> memref<!tpu.dma_semaphore, #tpu.memory_space<semaphore_mem>>
    %dma_start3A_185 = arith.constant 128 : i32
    %dma_start3A_186 = tpu.memref_slice %arg5[%add3A_179, %dma_start3A_185] : memref<16384x192xf32, #tpu.memory_space<hbm>> -> memref<64x64xf32, #tpu.memory_space<hbm>>
    tpu.enqueue_dma source(%arg8 : memref<64x64xf32, #tpu.memory_space<vmem>>) target(%dma_start3A_186 : memref<64x64xf32, #tpu.memory_space<hbm>>) target_semaphore(%dma_start3A_184 : memref<!tpu.dma_semaphore, #tpu.memory_space<semaphore_mem>>)
    %add3A_187 = arith.constant 128 : i32
    %add3A_188 = arith.addi %mul3A_2, %add3A_187 : i32
    %dma_start3A_189 = arith.constant 2 : i32
    %dma_start3A_190 = arith.constant 128 : i32
    %dma_start3A_191 = tpu.memref_slice %arg5[%add3A_188, %dma_start3A_190] : memref<16384x192xf32, #tpu.memory_space<hbm>> -> memref<64x64xf32, #tpu.memory_space<hbm>>
    %dma_start3A_192 = tpu.memref_slice %arg12[%dma_start3A_189] : memref<8x!tpu.dma_semaphore, #tpu.memory_space<semaphore_mem>> -> memref<1x!tpu.dma_semaphore, #tpu.memory_space<semaphore_mem>>
    %dma_start3A_193 = tpu.memref_squeeze %dma_start3A_192 : memref<1x!tpu.dma_semaphore, #tpu.memory_space<semaphore_mem>> -> memref<!tpu.dma_semaphore, #tpu.memory_space<semaphore_mem>>
    %dma_start3A_194 = arith.constant 128 : i32
    %dma_start3A_195 = tpu.memref_slice %arg5[%add3A_188, %dma_start3A_194] : memref<16384x192xf32, #tpu.memory_space<hbm>> -> memref<64x64xf32, #tpu.memory_space<hbm>>
    tpu.enqueue_dma source(%arg8 : memref<64x64xf32, #tpu.memory_space<vmem>>) target(%dma_start3A_195 : memref<64x64xf32, #tpu.memory_space<hbm>>) target_semaphore(%dma_start3A_193 : memref<!tpu.dma_semaphore, #tpu.memory_space<semaphore_mem>>)
    %add3A_196 = arith.constant 192 : i32
    %add3A_197 = arith.addi %mul3A_2, %add3A_196 : i32
    %dma_start3A_198 = arith.constant 3 : i32
    %dma_start3A_199 = arith.constant 128 : i32
    %dma_start3A_200 = tpu.memref_slice %arg5[%add3A_197, %dma_start3A_199] : memref<16384x192xf32, #tpu.memory_space<hbm>> -> memref<64x64xf32, #tpu.memory_space<hbm>>
    %dma_start3A_201 = tpu.memref_slice %arg12[%dma_start3A_198] : memref<8x!tpu.dma_semaphore, #tpu.memory_space<semaphore_mem>> -> memref<1x!tpu.dma_semaphore, #tpu.memory_space<semaphore_mem>>
    %dma_start3A_202 = tpu.memref_squeeze %dma_start3A_201 : memref<1x!tpu.dma_semaphore, #tpu.memory_space<semaphore_mem>> -> memref<!tpu.dma_semaphore, #tpu.memory_space<semaphore_mem>>
    %dma_start3A_203 = arith.constant 128 : i32
    %dma_start3A_204 = tpu.memref_slice %arg5[%add3A_197, %dma_start3A_203] : memref<16384x192xf32, #tpu.memory_space<hbm>> -> memref<64x64xf32, #tpu.memory_space<hbm>>
    tpu.enqueue_dma source(%arg8 : memref<64x64xf32, #tpu.memory_space<vmem>>) target(%dma_start3A_204 : memref<64x64xf32, #tpu.memory_space<hbm>>) target_semaphore(%dma_start3A_202 : memref<!tpu.dma_semaphore, #tpu.memory_space<semaphore_mem>>)
    %add3A_205 = arith.constant 256 : i32
    %add3A_206 = arith.addi %mul3A_2, %add3A_205 : i32
    %dma_start3A_207 = arith.constant 4 : i32
    %dma_start3A_208 = arith.constant 128 : i32
    %dma_start3A_209 = tpu.memref_slice %arg5[%add3A_206, %dma_start3A_208] : memref<16384x192xf32, #tpu.memory_space<hbm>> -> memref<64x64xf32, #tpu.memory_space<hbm>>
    %dma_start3A_210 = tpu.memref_slice %arg12[%dma_start3A_207] : memref<8x!tpu.dma_semaphore, #tpu.memory_space<semaphore_mem>> -> memref<1x!tpu.dma_semaphore, #tpu.memory_space<semaphore_mem>>
    %dma_start3A_211 = tpu.memref_squeeze %dma_start3A_210 : memref<1x!tpu.dma_semaphore, #tpu.memory_space<semaphore_mem>> -> memref<!tpu.dma_semaphore, #tpu.memory_space<semaphore_mem>>
    %dma_start3A_212 = arith.constant 128 : i32
    %dma_start3A_213 = tpu.memref_slice %arg5[%add3A_206, %dma_start3A_212] : memref<16384x192xf32, #tpu.memory_space<hbm>> -> memref<64x64xf32, #tpu.memory_space<hbm>>
    tpu.enqueue_dma source(%arg8 : memref<64x64xf32, #tpu.memory_space<vmem>>) target(%dma_start3A_213 : memref<64x64xf32, #tpu.memory_space<hbm>>) target_semaphore(%dma_start3A_211 : memref<!tpu.dma_semaphore, #tpu.memory_space<semaphore_mem>>)
    %add3A_214 = arith.constant 320 : i32
    %add3A_215 = arith.addi %mul3A_2, %add3A_214 : i32
    %dma_start3A_216 = arith.constant 5 : i32
    %dma_start3A_217 = arith.constant 128 : i32
    %dma_start3A_218 = tpu.memref_slice %arg5[%add3A_215, %dma_start3A_217] : memref<16384x192xf32, #tpu.memory_space<hbm>> -> memref<64x64xf32, #tpu.memory_space<hbm>>
    %dma_start3A_219 = tpu.memref_slice %arg12[%dma_start3A_216] : memref<8x!tpu.dma_semaphore, #tpu.memory_space<semaphore_mem>> -> memref<1x!tpu.dma_semaphore, #tpu.memory_space<semaphore_mem>>
    %dma_start3A_220 = tpu.memref_squeeze %dma_start3A_219 : memref<1x!tpu.dma_semaphore, #tpu.memory_space<semaphore_mem>> -> memref<!tpu.dma_semaphore, #tpu.memory_space<semaphore_mem>>
    %dma_start3A_221 = arith.constant 128 : i32
    %dma_start3A_222 = tpu.memref_slice %arg5[%add3A_215, %dma_start3A_221] : memref<16384x192xf32, #tpu.memory_space<hbm>> -> memref<64x64xf32, #tpu.memory_space<hbm>>
    tpu.enqueue_dma source(%arg8 : memref<64x64xf32, #tpu.memory_space<vmem>>) target(%dma_start3A_222 : memref<64x64xf32, #tpu.memory_space<hbm>>) target_semaphore(%dma_start3A_220 : memref<!tpu.dma_semaphore, #tpu.memory_space<semaphore_mem>>)
    %add3A_223 = arith.constant 384 : i32
    %add3A_224 = arith.addi %mul3A_2, %add3A_223 : i32
    %dma_start3A_225 = arith.constant 6 : i32
    %dma_start3A_226 = arith.constant 128 : i32
    %dma_start3A_227 = tpu.memref_slice %arg5[%add3A_224, %dma_start3A_226] : memref<16384x192xf32, #tpu.memory_space<hbm>> -> memref<64x64xf32, #tpu.memory_space<hbm>>
    %dma_start3A_228 = tpu.memref_slice %arg12[%dma_start3A_225] : memref<8x!tpu.dma_semaphore, #tpu.memory_space<semaphore_mem>> -> memref<1x!tpu.dma_semaphore, #tpu.memory_space<semaphore_mem>>
    %dma_start3A_229 = tpu.memref_squeeze %dma_start3A_228 : memref<1x!tpu.dma_semaphore, #tpu.memory_space<semaphore_mem>> -> memref<!tpu.dma_semaphore, #tpu.memory_space<semaphore_mem>>
    %dma_start3A_230 = arith.constant 128 : i32
    %dma_start3A_231 = tpu.memref_slice %arg5[%add3A_224, %dma_start3A_230] : memref<16384x192xf32, #tpu.memory_space<hbm>> -> memref<64x64xf32, #tpu.memory_space<hbm>>
    tpu.enqueue_dma source(%arg8 : memref<64x64xf32, #tpu.memory_space<vmem>>) target(%dma_start3A_231 : memref<64x64xf32, #tpu.memory_space<hbm>>) target_semaphore(%dma_start3A_229 : memref<!tpu.dma_semaphore, #tpu.memory_space<semaphore_mem>>)
    %add3A_232 = arith.constant 448 : i32
    %add3A_233 = arith.addi %mul3A_2, %add3A_232 : i32
    %dma_start3A_234 = arith.constant 7 : i32
    %dma_start3A_235 = arith.constant 128 : i32
    %dma_start3A_236 = tpu.memref_slice %arg5[%add3A_233, %dma_start3A_235] : memref<16384x192xf32, #tpu.memory_space<hbm>> -> memref<64x64xf32, #tpu.memory_space<hbm>>
    %dma_start3A_237 = tpu.memref_slice %arg12[%dma_start3A_234] : memref<8x!tpu.dma_semaphore, #tpu.memory_space<semaphore_mem>> -> memref<1x!tpu.dma_semaphore, #tpu.memory_space<semaphore_mem>>
    %dma_start3A_238 = tpu.memref_squeeze %dma_start3A_237 : memref<1x!tpu.dma_semaphore, #tpu.memory_space<semaphore_mem>> -> memref<!tpu.dma_semaphore, #tpu.memory_space<semaphore_mem>>
    %dma_start3A_239 = arith.constant 128 : i32
    %dma_start3A_240 = tpu.memref_slice %arg5[%add3A_233, %dma_start3A_239] : memref<16384x192xf32, #tpu.memory_space<hbm>> -> memref<64x64xf32, #tpu.memory_space<hbm>>
    tpu.enqueue_dma source(%arg8 : memref<64x64xf32, #tpu.memory_space<vmem>>) target(%dma_start3A_240 : memref<64x64xf32, #tpu.memory_space<hbm>>) target_semaphore(%dma_start3A_238 : memref<!tpu.dma_semaphore, #tpu.memory_space<semaphore_mem>>)
    %add3A_241 = arith.constant 0 : i32
    %add3A_242 = arith.addi %mul3A_2, %add3A_241 : i32
    %dma_wait3A = arith.constant 0 : i32
    %dma_wait3A_243 = arith.constant 0 : i32
    %dma_wait3A_244 = arith.constant 0 : i32
    %dma_wait3A_245 = arith.constant 0 : i32
    %dma_wait3A_246 = tpu.memref_slice %arg9[%dma_wait3A, %dma_wait3A_244, %dma_wait3A_245] : memref<8x64x128xf32, #tpu.memory_space<vmem>> -> memref<1x64x128xf32, #tpu.memory_space<vmem>>
    %dma_wait3A_247 = tpu.memref_squeeze %dma_wait3A_246 : memref<1x64x128xf32, #tpu.memory_space<vmem>> -> memref<64x128xf32, #tpu.memory_space<vmem>>
    %dma_wait3A_248 = arith.constant 0 : i32
    %dma_wait3A_249 = tpu.memref_slice %arg4[%add3A_242, %dma_wait3A_248] : memref<16384x128xf32, #tpu.memory_space<hbm>> -> memref<64x128xf32, #tpu.memory_space<hbm>>
    %dma_wait3A_250 = tpu.memref_slice %arg10[%dma_wait3A_243] : memref<8x!tpu.dma_semaphore, #tpu.memory_space<semaphore_mem>> -> memref<1x!tpu.dma_semaphore, #tpu.memory_space<semaphore_mem>>
    %dma_wait3A_251 = tpu.memref_squeeze %dma_wait3A_250 : memref<1x!tpu.dma_semaphore, #tpu.memory_space<semaphore_mem>> -> memref<!tpu.dma_semaphore, #tpu.memory_space<semaphore_mem>>
    %dma_wait3A_252 = arith.constant 0 : i32
    %dma_wait3A_253 = arith.constant 0 : i32
    %dma_wait3A_254 = tpu.memref_slice %arg9[%dma_wait3A, %dma_wait3A_252, %dma_wait3A_253] : memref<8x64x128xf32, #tpu.memory_space<vmem>> -> memref<1x64x128xf32, #tpu.memory_space<vmem>>
    %dma_wait3A_255 = tpu.memref_squeeze %dma_wait3A_254 : memref<1x64x128xf32, #tpu.memory_space<vmem>> -> memref<64x128xf32, #tpu.memory_space<vmem>>
    %dma_wait3A_256 = arith.constant 0 : i32
    %dma_wait3A_257 = tpu.memref_slice %arg4[%add3A_242, %dma_wait3A_256] : memref<16384x128xf32, #tpu.memory_space<hbm>> -> memref<64x128xf32, #tpu.memory_space<hbm>>
    tpu.wait_dma2 semaphore(%dma_wait3A_251 : memref<!tpu.dma_semaphore, #tpu.memory_space<semaphore_mem>>) src(%dma_wait3A_257 : memref<64x128xf32, #tpu.memory_space<hbm>>) dst(%dma_wait3A_255 : memref<64x128xf32, #tpu.memory_space<vmem>>)
    %add3A_258 = arith.constant 0 : i32
    %add3A_259 = arith.addi %mul3A_2, %add3A_258 : i32
    %dma_start3A_260 = arith.constant 0 : i32
    %dma_start3A_261 = arith.constant 0 : i32
    %dma_start3A_262 = arith.constant 0 : i32
    %dma_start3A_263 = arith.constant 0 : i32
    %dma_start3A_264 = tpu.memref_slice %arg9[%dma_start3A_260, %dma_start3A_262, %dma_start3A_263] : memref<8x64x128xf32, #tpu.memory_space<vmem>> -> memref<1x64x128xf32, #tpu.memory_space<vmem>>
    %dma_start3A_265 = tpu.memref_squeeze %dma_start3A_264 : memref<1x64x128xf32, #tpu.memory_space<vmem>> -> memref<64x128xf32, #tpu.memory_space<vmem>>
    %dma_start3A_266 = arith.constant 0 : i32
    %dma_start3A_267 = tpu.memref_slice %arg5[%add3A_259, %dma_start3A_266] : memref<16384x192xf32, #tpu.memory_space<hbm>> -> memref<64x128xf32, #tpu.memory_space<hbm>>
    %dma_start3A_268 = tpu.memref_slice %arg11[%dma_start3A_261] : memref<8x!tpu.dma_semaphore, #tpu.memory_space<semaphore_mem>> -> memref<1x!tpu.dma_semaphore, #tpu.memory_space<semaphore_mem>>
    %dma_start3A_269 = tpu.memref_squeeze %dma_start3A_268 : memref<1x!tpu.dma_semaphore, #tpu.memory_space<semaphore_mem>> -> memref<!tpu.dma_semaphore, #tpu.memory_space<semaphore_mem>>
    %dma_start3A_270 = arith.constant 0 : i32
    %dma_start3A_271 = tpu.memref_slice %arg5[%add3A_259, %dma_start3A_270] : memref<16384x192xf32, #tpu.memory_space<hbm>> -> memref<64x128xf32, #tpu.memory_space<hbm>>
    %dma_start3A_272 = arith.constant 0 : i32
    %dma_start3A_273 = arith.constant 0 : i32
    %dma_start3A_274 = tpu.memref_slice %arg9[%dma_start3A_260, %dma_start3A_272, %dma_start3A_273] : memref<8x64x128xf32, #tpu.memory_space<vmem>> -> memref<1x64x128xf32, #tpu.memory_space<vmem>>
    %dma_start3A_275 = tpu.memref_squeeze %dma_start3A_274 : memref<1x64x128xf32, #tpu.memory_space<vmem>> -> memref<64x128xf32, #tpu.memory_space<vmem>>
    tpu.enqueue_dma source(%dma_start3A_275 : memref<64x128xf32, #tpu.memory_space<vmem>>) target(%dma_start3A_271 : memref<64x128xf32, #tpu.memory_space<hbm>>) target_semaphore(%dma_start3A_269 : memref<!tpu.dma_semaphore, #tpu.memory_space<semaphore_mem>>)
    %add3A_276 = arith.constant 64 : i32
    %add3A_277 = arith.addi %mul3A_2, %add3A_276 : i32
    %dma_wait3A_278 = arith.constant 1 : i32
    %dma_wait3A_279 = arith.constant 1 : i32
    %dma_wait3A_280 = arith.constant 0 : i32
    %dma_wait3A_281 = arith.constant 0 : i32
    %dma_wait3A_282 = tpu.memref_slice %arg9[%dma_wait3A_278, %dma_wait3A_280, %dma_wait3A_281] : memref<8x64x128xf32, #tpu.memory_space<vmem>> -> memref<1x64x128xf32, #tpu.memory_space<vmem>>
    %dma_wait3A_283 = tpu.memref_squeeze %dma_wait3A_282 : memref<1x64x128xf32, #tpu.memory_space<vmem>> -> memref<64x128xf32, #tpu.memory_space<vmem>>
    %dma_wait3A_284 = arith.constant 0 : i32
    %dma_wait3A_285 = tpu.memref_slice %arg4[%add3A_277, %dma_wait3A_284] : memref<16384x128xf32, #tpu.memory_space<hbm>> -> memref<64x128xf32, #tpu.memory_space<hbm>>
    %dma_wait3A_286 = tpu.memref_slice %arg10[%dma_wait3A_279] : memref<8x!tpu.dma_semaphore, #tpu.memory_space<semaphore_mem>> -> memref<1x!tpu.dma_semaphore, #tpu.memory_space<semaphore_mem>>
    %dma_wait3A_287 = tpu.memref_squeeze %dma_wait3A_286 : memref<1x!tpu.dma_semaphore, #tpu.memory_space<semaphore_mem>> -> memref<!tpu.dma_semaphore, #tpu.memory_space<semaphore_mem>>
    %dma_wait3A_288 = arith.constant 0 : i32
    %dma_wait3A_289 = arith.constant 0 : i32
    %dma_wait3A_290 = tpu.memref_slice %arg9[%dma_wait3A_278, %dma_wait3A_288, %dma_wait3A_289] : memref<8x64x128xf32, #tpu.memory_space<vmem>> -> memref<1x64x128xf32, #tpu.memory_space<vmem>>
    %dma_wait3A_291 = tpu.memref_squeeze %dma_wait3A_290 : memref<1x64x128xf32, #tpu.memory_space<vmem>> -> memref<64x128xf32, #tpu.memory_space<vmem>>
    %dma_wait3A_292 = arith.constant 0 : i32
    %dma_wait3A_293 = tpu.memref_slice %arg4[%add3A_277, %dma_wait3A_292] : memref<16384x128xf32, #tpu.memory_space<hbm>> -> memref<64x128xf32, #tpu.memory_space<hbm>>
    tpu.wait_dma2 semaphore(%dma_wait3A_287 : memref<!tpu.dma_semaphore, #tpu.memory_space<semaphore_mem>>) src(%dma_wait3A_293 : memref<64x128xf32, #tpu.memory_space<hbm>>) dst(%dma_wait3A_291 : memref<64x128xf32, #tpu.memory_space<vmem>>)
    %add3A_294 = arith.constant 64 : i32
    %add3A_295 = arith.addi %mul3A_2, %add3A_294 : i32
    %dma_start3A_296 = arith.constant 1 : i32
    %dma_start3A_297 = arith.constant 1 : i32
    %dma_start3A_298 = arith.constant 0 : i32
    %dma_start3A_299 = arith.constant 0 : i32
    %dma_start3A_300 = tpu.memref_slice %arg9[%dma_start3A_296, %dma_start3A_298, %dma_start3A_299] : memref<8x64x128xf32, #tpu.memory_space<vmem>> -> memref<1x64x128xf32, #tpu.memory_space<vmem>>
    %dma_start3A_301 = tpu.memref_squeeze %dma_start3A_300 : memref<1x64x128xf32, #tpu.memory_space<vmem>> -> memref<64x128xf32, #tpu.memory_space<vmem>>
    %dma_start3A_302 = arith.constant 0 : i32
    %dma_start3A_303 = tpu.memref_slice %arg5[%add3A_295, %dma_start3A_302] : memref<16384x192xf32, #tpu.memory_space<hbm>> -> memref<64x128xf32, #tpu.memory_space<hbm>>
    %dma_start3A_304 = tpu.memref_slice %arg11[%dma_start3A_297] : memref<8x!tpu.dma_semaphore, #tpu.memory_space<semaphore_mem>> -> memref<1x!tpu.dma_semaphore, #tpu.memory_space<semaphore_mem>>
    %dma_start3A_305 = tpu.memref_squeeze %dma_start3A_304 : memref<1x!tpu.dma_semaphore, #tpu.memory_space<semaphore_mem>> -> memref<!tpu.dma_semaphore, #tpu.memory_space<semaphore_mem>>
    %dma_start3A_306 = arith.constant 0 : i32
    %dma_start3A_307 = tpu.memref_slice %arg5[%add3A_295, %dma_start3A_306] : memref<16384x192xf32, #tpu.memory_space<hbm>> -> memref<64x128xf32, #tpu.memory_space<hbm>>
    %dma_start3A_308 = arith.constant 0 : i32
    %dma_start3A_309 = arith.constant 0 : i32
    %dma_start3A_310 = tpu.memref_slice %arg9[%dma_start3A_296, %dma_start3A_308, %dma_start3A_309] : memref<8x64x128xf32, #tpu.memory_space<vmem>> -> memref<1x64x128xf32, #tpu.memory_space<vmem>>
    %dma_start3A_311 = tpu.memref_squeeze %dma_start3A_310 : memref<1x64x128xf32, #tpu.memory_space<vmem>> -> memref<64x128xf32, #tpu.memory_space<vmem>>
    tpu.enqueue_dma source(%dma_start3A_311 : memref<64x128xf32, #tpu.memory_space<vmem>>) target(%dma_start3A_307 : memref<64x128xf32, #tpu.memory_space<hbm>>) target_semaphore(%dma_start3A_305 : memref<!tpu.dma_semaphore, #tpu.memory_space<semaphore_mem>>)
    %add3A_312 = arith.constant 128 : i32
    %add3A_313 = arith.addi %mul3A_2, %add3A_312 : i32
    %dma_wait3A_314 = arith.constant 2 : i32
    %dma_wait3A_315 = arith.constant 2 : i32
    %dma_wait3A_316 = arith.constant 0 : i32
    %dma_wait3A_317 = arith.constant 0 : i32
    %dma_wait3A_318 = tpu.memref_slice %arg9[%dma_wait3A_314, %dma_wait3A_316, %dma_wait3A_317] : memref<8x64x128xf32, #tpu.memory_space<vmem>> -> memref<1x64x128xf32, #tpu.memory_space<vmem>>
    %dma_wait3A_319 = tpu.memref_squeeze %dma_wait3A_318 : memref<1x64x128xf32, #tpu.memory_space<vmem>> -> memref<64x128xf32, #tpu.memory_space<vmem>>
    %dma_wait3A_320 = arith.constant 0 : i32
    %dma_wait3A_321 = tpu.memref_slice %arg4[%add3A_313, %dma_wait3A_320] : memref<16384x128xf32, #tpu.memory_space<hbm>> -> memref<64x128xf32, #tpu.memory_space<hbm>>
    %dma_wait3A_322 = tpu.memref_slice %arg10[%dma_wait3A_315] : memref<8x!tpu.dma_semaphore, #tpu.memory_space<semaphore_mem>> -> memref<1x!tpu.dma_semaphore, #tpu.memory_space<semaphore_mem>>
    %dma_wait3A_323 = tpu.memref_squeeze %dma_wait3A_322 : memref<1x!tpu.dma_semaphore, #tpu.memory_space<semaphore_mem>> -> memref<!tpu.dma_semaphore, #tpu.memory_space<semaphore_mem>>
    %dma_wait3A_324 = arith.constant 0 : i32
    %dma_wait3A_325 = arith.constant 0 : i32
    %dma_wait3A_326 = tpu.memref_slice %arg9[%dma_wait3A_314, %dma_wait3A_324, %dma_wait3A_325] : memref<8x64x128xf32, #tpu.memory_space<vmem>> -> memref<1x64x128xf32, #tpu.memory_space<vmem>>
    %dma_wait3A_327 = tpu.memref_squeeze %dma_wait3A_326 : memref<1x64x128xf32, #tpu.memory_space<vmem>> -> memref<64x128xf32, #tpu.memory_space<vmem>>
    %dma_wait3A_328 = arith.constant 0 : i32
    %dma_wait3A_329 = tpu.memref_slice %arg4[%add3A_313, %dma_wait3A_328] : memref<16384x128xf32, #tpu.memory_space<hbm>> -> memref<64x128xf32, #tpu.memory_space<hbm>>
    tpu.wait_dma2 semaphore(%dma_wait3A_323 : memref<!tpu.dma_semaphore, #tpu.memory_space<semaphore_mem>>) src(%dma_wait3A_329 : memref<64x128xf32, #tpu.memory_space<hbm>>) dst(%dma_wait3A_327 : memref<64x128xf32, #tpu.memory_space<vmem>>)
    %add3A_330 = arith.constant 128 : i32
    %add3A_331 = arith.addi %mul3A_2, %add3A_330 : i32
    %dma_start3A_332 = arith.constant 2 : i32
    %dma_start3A_333 = arith.constant 2 : i32
    %dma_start3A_334 = arith.constant 0 : i32
    %dma_start3A_335 = arith.constant 0 : i32
    %dma_start3A_336 = tpu.memref_slice %arg9[%dma_start3A_332, %dma_start3A_334, %dma_start3A_335] : memref<8x64x128xf32, #tpu.memory_space<vmem>> -> memref<1x64x128xf32, #tpu.memory_space<vmem>>
    %dma_start3A_337 = tpu.memref_squeeze %dma_start3A_336 : memref<1x64x128xf32, #tpu.memory_space<vmem>> -> memref<64x128xf32, #tpu.memory_space<vmem>>
    %dma_start3A_338 = arith.constant 0 : i32
    %dma_start3A_339 = tpu.memref_slice %arg5[%add3A_331, %dma_start3A_338] : memref<16384x192xf32, #tpu.memory_space<hbm>> -> memref<64x128xf32, #tpu.memory_space<hbm>>
    %dma_start3A_340 = tpu.memref_slice %arg11[%dma_start3A_333] : memref<8x!tpu.dma_semaphore, #tpu.memory_space<semaphore_mem>> -> memref<1x!tpu.dma_semaphore, #tpu.memory_space<semaphore_mem>>
    %dma_start3A_341 = tpu.memref_squeeze %dma_start3A_340 : memref<1x!tpu.dma_semaphore, #tpu.memory_space<semaphore_mem>> -> memref<!tpu.dma_semaphore, #tpu.memory_space<semaphore_mem>>
    %dma_start3A_342 = arith.constant 0 : i32
    %dma_start3A_343 = tpu.memref_slice %arg5[%add3A_331, %dma_start3A_342] : memref<16384x192xf32, #tpu.memory_space<hbm>> -> memref<64x128xf32, #tpu.memory_space<hbm>>
    %dma_start3A_344 = arith.constant 0 : i32
    %dma_start3A_345 = arith.constant 0 : i32
    %dma_start3A_346 = tpu.memref_slice %arg9[%dma_start3A_332, %dma_start3A_344, %dma_start3A_345] : memref<8x64x128xf32, #tpu.memory_space<vmem>> -> memref<1x64x128xf32, #tpu.memory_space<vmem>>
    %dma_start3A_347 = tpu.memref_squeeze %dma_start3A_346 : memref<1x64x128xf32, #tpu.memory_space<vmem>> -> memref<64x128xf32, #tpu.memory_space<vmem>>
    tpu.enqueue_dma source(%dma_start3A_347 : memref<64x128xf32, #tpu.memory_space<vmem>>) target(%dma_start3A_343 : memref<64x128xf32, #tpu.memory_space<hbm>>) target_semaphore(%dma_start3A_341 : memref<!tpu.dma_semaphore, #tpu.memory_space<semaphore_mem>>)
    %add3A_348 = arith.constant 192 : i32
    %add3A_349 = arith.addi %mul3A_2, %add3A_348 : i32
    %dma_wait3A_350 = arith.constant 3 : i32
    %dma_wait3A_351 = arith.constant 3 : i32
    %dma_wait3A_352 = arith.constant 0 : i32
    %dma_wait3A_353 = arith.constant 0 : i32
    %dma_wait3A_354 = tpu.memref_slice %arg9[%dma_wait3A_350, %dma_wait3A_352, %dma_wait3A_353] : memref<8x64x128xf32, #tpu.memory_space<vmem>> -> memref<1x64x128xf32, #tpu.memory_space<vmem>>
    %dma_wait3A_355 = tpu.memref_squeeze %dma_wait3A_354 : memref<1x64x128xf32, #tpu.memory_space<vmem>> -> memref<64x128xf32, #tpu.memory_space<vmem>>
    %dma_wait3A_356 = arith.constant 0 : i32
    %dma_wait3A_357 = tpu.memref_slice %arg4[%add3A_349, %dma_wait3A_356] : memref<16384x128xf32, #tpu.memory_space<hbm>> -> memref<64x128xf32, #tpu.memory_space<hbm>>
    %dma_wait3A_358 = tpu.memref_slice %arg10[%dma_wait3A_351] : memref<8x!tpu.dma_semaphore, #tpu.memory_space<semaphore_mem>> -> memref<1x!tpu.dma_semaphore, #tpu.memory_space<semaphore_mem>>
    %dma_wait3A_359 = tpu.memref_squeeze %dma_wait3A_358 : memref<1x!tpu.dma_semaphore, #tpu.memory_space<semaphore_mem>> -> memref<!tpu.dma_semaphore, #tpu.memory_space<semaphore_mem>>
    %dma_wait3A_360 = arith.constant 0 : i32
    %dma_wait3A_361 = arith.constant 0 : i32
    %dma_wait3A_362 = tpu.memref_slice %arg9[%dma_wait3A_350, %dma_wait3A_360, %dma_wait3A_361] : memref<8x64x128xf32, #tpu.memory_space<vmem>> -> memref<1x64x128xf32, #tpu.memory_space<vmem>>
    %dma_wait3A_363 = tpu.memref_squeeze %dma_wait3A_362 : memref<1x64x128xf32, #tpu.memory_space<vmem>> -> memref<64x128xf32, #tpu.memory_space<vmem>>
    %dma_wait3A_364 = arith.constant 0 : i32
    %dma_wait3A_365 = tpu.memref_slice %arg4[%add3A_349, %dma_wait3A_364] : memref<16384x128xf32, #tpu.memory_space<hbm>> -> memref<64x128xf32, #tpu.memory_space<hbm>>
    tpu.wait_dma2 semaphore(%dma_wait3A_359 : memref<!tpu.dma_semaphore, #tpu.memory_space<semaphore_mem>>) src(%dma_wait3A_365 : memref<64x128xf32, #tpu.memory_space<hbm>>) dst(%dma_wait3A_363 : memref<64x128xf32, #tpu.memory_space<vmem>>)
    %add3A_366 = arith.constant 192 : i32
    %add3A_367 = arith.addi %mul3A_2, %add3A_366 : i32
    %dma_start3A_368 = arith.constant 3 : i32
    %dma_start3A_369 = arith.constant 3 : i32
    %dma_start3A_370 = arith.constant 0 : i32
    %dma_start3A_371 = arith.constant 0 : i32
    %dma_start3A_372 = tpu.memref_slice %arg9[%dma_start3A_368, %dma_start3A_370, %dma_start3A_371] : memref<8x64x128xf32, #tpu.memory_space<vmem>> -> memref<1x64x128xf32, #tpu.memory_space<vmem>>
    %dma_start3A_373 = tpu.memref_squeeze %dma_start3A_372 : memref<1x64x128xf32, #tpu.memory_space<vmem>> -> memref<64x128xf32, #tpu.memory_space<vmem>>
    %dma_start3A_374 = arith.constant 0 : i32
    %dma_start3A_375 = tpu.memref_slice %arg5[%add3A_367, %dma_start3A_374] : memref<16384x192xf32, #tpu.memory_space<hbm>> -> memref<64x128xf32, #tpu.memory_space<hbm>>
    %dma_start3A_376 = tpu.memref_slice %arg11[%dma_start3A_369] : memref<8x!tpu.dma_semaphore, #tpu.memory_space<semaphore_mem>> -> memref<1x!tpu.dma_semaphore, #tpu.memory_space<semaphore_mem>>
    %dma_start3A_377 = tpu.memref_squeeze %dma_start3A_376 : memref<1x!tpu.dma_semaphore, #tpu.memory_space<semaphore_mem>> -> memref<!tpu.dma_semaphore, #tpu.memory_space<semaphore_mem>>
    %dma_start3A_378 = arith.constant 0 : i32
    %dma_start3A_379 = tpu.memref_slice %arg5[%add3A_367, %dma_start3A_378] : memref<16384x192xf32, #tpu.memory_space<hbm>> -> memref<64x128xf32, #tpu.memory_space<hbm>>
    %dma_start3A_380 = arith.constant 0 : i32
    %dma_start3A_381 = arith.constant 0 : i32
    %dma_start3A_382 = tpu.memref_slice %arg9[%dma_start3A_368, %dma_start3A_380, %dma_start3A_381] : memref<8x64x128xf32, #tpu.memory_space<vmem>> -> memref<1x64x128xf32, #tpu.memory_space<vmem>>
    %dma_start3A_383 = tpu.memref_squeeze %dma_start3A_382 : memref<1x64x128xf32, #tpu.memory_space<vmem>> -> memref<64x128xf32, #tpu.memory_space<vmem>>
    tpu.enqueue_dma source(%dma_start3A_383 : memref<64x128xf32, #tpu.memory_space<vmem>>) target(%dma_start3A_379 : memref<64x128xf32, #tpu.memory_space<hbm>>) target_semaphore(%dma_start3A_377 : memref<!tpu.dma_semaphore, #tpu.memory_space<semaphore_mem>>)
    %add3A_384 = arith.constant 256 : i32
    %add3A_385 = arith.addi %mul3A_2, %add3A_384 : i32
    %dma_wait3A_386 = arith.constant 4 : i32
    %dma_wait3A_387 = arith.constant 4 : i32
    %dma_wait3A_388 = arith.constant 0 : i32
    %dma_wait3A_389 = arith.constant 0 : i32
    %dma_wait3A_390 = tpu.memref_slice %arg9[%dma_wait3A_386, %dma_wait3A_388, %dma_wait3A_389] : memref<8x64x128xf32, #tpu.memory_space<vmem>> -> memref<1x64x128xf32, #tpu.memory_space<vmem>>
    %dma_wait3A_391 = tpu.memref_squeeze %dma_wait3A_390 : memref<1x64x128xf32, #tpu.memory_space<vmem>> -> memref<64x128xf32, #tpu.memory_space<vmem>>
    %dma_wait3A_392 = arith.constant 0 : i32
    %dma_wait3A_393 = tpu.memref_slice %arg4[%add3A_385, %dma_wait3A_392] : memref<16384x128xf32, #tpu.memory_space<hbm>> -> memref<64x128xf32, #tpu.memory_space<hbm>>
    %dma_wait3A_394 = tpu.memref_slice %arg10[%dma_wait3A_387] : memref<8x!tpu.dma_semaphore, #tpu.memory_space<semaphore_mem>> -> memref<1x!tpu.dma_semaphore, #tpu.memory_space<semaphore_mem>>
    %dma_wait3A_395 = tpu.memref_squeeze %dma_wait3A_394 : memref<1x!tpu.dma_semaphore, #tpu.memory_space<semaphore_mem>> -> memref<!tpu.dma_semaphore, #tpu.memory_space<semaphore_mem>>
    %dma_wait3A_396 = arith.constant 0 : i32
    %dma_wait3A_397 = arith.constant 0 : i32
    %dma_wait3A_398 = tpu.memref_slice %arg9[%dma_wait3A_386, %dma_wait3A_396, %dma_wait3A_397] : memref<8x64x128xf32, #tpu.memory_space<vmem>> -> memref<1x64x128xf32, #tpu.memory_space<vmem>>
    %dma_wait3A_399 = tpu.memref_squeeze %dma_wait3A_398 : memref<1x64x128xf32, #tpu.memory_space<vmem>> -> memref<64x128xf32, #tpu.memory_space<vmem>>
    %dma_wait3A_400 = arith.constant 0 : i32
    %dma_wait3A_401 = tpu.memref_slice %arg4[%add3A_385, %dma_wait3A_400] : memref<16384x128xf32, #tpu.memory_space<hbm>> -> memref<64x128xf32, #tpu.memory_space<hbm>>
    tpu.wait_dma2 semaphore(%dma_wait3A_395 : memref<!tpu.dma_semaphore, #tpu.memory_space<semaphore_mem>>) src(%dma_wait3A_401 : memref<64x128xf32, #tpu.memory_space<hbm>>) dst(%dma_wait3A_399 : memref<64x128xf32, #tpu.memory_space<vmem>>)
    %add3A_402 = arith.constant 256 : i32
    %add3A_403 = arith.addi %mul3A_2, %add3A_402 : i32
    %dma_start3A_404 = arith.constant 4 : i32
    %dma_start3A_405 = arith.constant 4 : i32
    %dma_start3A_406 = arith.constant 0 : i32
    %dma_start3A_407 = arith.constant 0 : i32
    %dma_start3A_408 = tpu.memref_slice %arg9[%dma_start3A_404, %dma_start3A_406, %dma_start3A_407] : memref<8x64x128xf32, #tpu.memory_space<vmem>> -> memref<1x64x128xf32, #tpu.memory_space<vmem>>
    %dma_start3A_409 = tpu.memref_squeeze %dma_start3A_408 : memref<1x64x128xf32, #tpu.memory_space<vmem>> -> memref<64x128xf32, #tpu.memory_space<vmem>>
    %dma_start3A_410 = arith.constant 0 : i32
    %dma_start3A_411 = tpu.memref_slice %arg5[%add3A_403, %dma_start3A_410] : memref<16384x192xf32, #tpu.memory_space<hbm>> -> memref<64x128xf32, #tpu.memory_space<hbm>>
    %dma_start3A_412 = tpu.memref_slice %arg11[%dma_start3A_405] : memref<8x!tpu.dma_semaphore, #tpu.memory_space<semaphore_mem>> -> memref<1x!tpu.dma_semaphore, #tpu.memory_space<semaphore_mem>>
    %dma_start3A_413 = tpu.memref_squeeze %dma_start3A_412 : memref<1x!tpu.dma_semaphore, #tpu.memory_space<semaphore_mem>> -> memref<!tpu.dma_semaphore, #tpu.memory_space<semaphore_mem>>
    %dma_start3A_414 = arith.constant 0 : i32
    %dma_start3A_415 = tpu.memref_slice %arg5[%add3A_403, %dma_start3A_414] : memref<16384x192xf32, #tpu.memory_space<hbm>> -> memref<64x128xf32, #tpu.memory_space<hbm>>
    %dma_start3A_416 = arith.constant 0 : i32
    %dma_start3A_417 = arith.constant 0 : i32
    %dma_start3A_418 = tpu.memref_slice %arg9[%dma_start3A_404, %dma_start3A_416, %dma_start3A_417] : memref<8x64x128xf32, #tpu.memory_space<vmem>> -> memref<1x64x128xf32, #tpu.memory_space<vmem>>
    %dma_start3A_419 = tpu.memref_squeeze %dma_start3A_418 : memref<1x64x128xf32, #tpu.memory_space<vmem>> -> memref<64x128xf32, #tpu.memory_space<vmem>>
    tpu.enqueue_dma source(%dma_start3A_419 : memref<64x128xf32, #tpu.memory_space<vmem>>) target(%dma_start3A_415 : memref<64x128xf32, #tpu.memory_space<hbm>>) target_semaphore(%dma_start3A_413 : memref<!tpu.dma_semaphore, #tpu.memory_space<semaphore_mem>>)
    %add3A_420 = arith.constant 320 : i32
    %add3A_421 = arith.addi %mul3A_2, %add3A_420 : i32
    %dma_wait3A_422 = arith.constant 5 : i32
    %dma_wait3A_423 = arith.constant 5 : i32
    %dma_wait3A_424 = arith.constant 0 : i32
    %dma_wait3A_425 = arith.constant 0 : i32
    %dma_wait3A_426 = tpu.memref_slice %arg9[%dma_wait3A_422, %dma_wait3A_424, %dma_wait3A_425] : memref<8x64x128xf32, #tpu.memory_space<vmem>> -> memref<1x64x128xf32, #tpu.memory_space<vmem>>
    %dma_wait3A_427 = tpu.memref_squeeze %dma_wait3A_426 : memref<1x64x128xf32, #tpu.memory_space<vmem>> -> memref<64x128xf32, #tpu.memory_space<vmem>>
    %dma_wait3A_428 = arith.constant 0 : i32
    %dma_wait3A_429 = tpu.memref_slice %arg4[%add3A_421, %dma_wait3A_428] : memref<16384x128xf32, #tpu.memory_space<hbm>> -> memref<64x128xf32, #tpu.memory_space<hbm>>
    %dma_wait3A_430 = tpu.memref_slice %arg10[%dma_wait3A_423] : memref<8x!tpu.dma_semaphore, #tpu.memory_space<semaphore_mem>> -> memref<1x!tpu.dma_semaphore, #tpu.memory_space<semaphore_mem>>
    %dma_wait3A_431 = tpu.memref_squeeze %dma_wait3A_430 : memref<1x!tpu.dma_semaphore, #tpu.memory_space<semaphore_mem>> -> memref<!tpu.dma_semaphore, #tpu.memory_space<semaphore_mem>>
    %dma_wait3A_432 = arith.constant 0 : i32
    %dma_wait3A_433 = arith.constant 0 : i32
    %dma_wait3A_434 = tpu.memref_slice %arg9[%dma_wait3A_422, %dma_wait3A_432, %dma_wait3A_433] : memref<8x64x128xf32, #tpu.memory_space<vmem>> -> memref<1x64x128xf32, #tpu.memory_space<vmem>>
    %dma_wait3A_435 = tpu.memref_squeeze %dma_wait3A_434 : memref<1x64x128xf32, #tpu.memory_space<vmem>> -> memref<64x128xf32, #tpu.memory_space<vmem>>
    %dma_wait3A_436 = arith.constant 0 : i32
    %dma_wait3A_437 = tpu.memref_slice %arg4[%add3A_421, %dma_wait3A_436] : memref<16384x128xf32, #tpu.memory_space<hbm>> -> memref<64x128xf32, #tpu.memory_space<hbm>>
    tpu.wait_dma2 semaphore(%dma_wait3A_431 : memref<!tpu.dma_semaphore, #tpu.memory_space<semaphore_mem>>) src(%dma_wait3A_437 : memref<64x128xf32, #tpu.memory_space<hbm>>) dst(%dma_wait3A_435 : memref<64x128xf32, #tpu.memory_space<vmem>>)
    %add3A_438 = arith.constant 320 : i32
    %add3A_439 = arith.addi %mul3A_2, %add3A_438 : i32
    %dma_start3A_440 = arith.constant 5 : i32
    %dma_start3A_441 = arith.constant 5 : i32
    %dma_start3A_442 = arith.constant 0 : i32
    %dma_start3A_443 = arith.constant 0 : i32
    %dma_start3A_444 = tpu.memref_slice %arg9[%dma_start3A_440, %dma_start3A_442, %dma_start3A_443] : memref<8x64x128xf32, #tpu.memory_space<vmem>> -> memref<1x64x128xf32, #tpu.memory_space<vmem>>
    %dma_start3A_445 = tpu.memref_squeeze %dma_start3A_444 : memref<1x64x128xf32, #tpu.memory_space<vmem>> -> memref<64x128xf32, #tpu.memory_space<vmem>>
    %dma_start3A_446 = arith.constant 0 : i32
    %dma_start3A_447 = tpu.memref_slice %arg5[%add3A_439, %dma_start3A_446] : memref<16384x192xf32, #tpu.memory_space<hbm>> -> memref<64x128xf32, #tpu.memory_space<hbm>>
    %dma_start3A_448 = tpu.memref_slice %arg11[%dma_start3A_441] : memref<8x!tpu.dma_semaphore, #tpu.memory_space<semaphore_mem>> -> memref<1x!tpu.dma_semaphore, #tpu.memory_space<semaphore_mem>>
    %dma_start3A_449 = tpu.memref_squeeze %dma_start3A_448 : memref<1x!tpu.dma_semaphore, #tpu.memory_space<semaphore_mem>> -> memref<!tpu.dma_semaphore, #tpu.memory_space<semaphore_mem>>
    %dma_start3A_450 = arith.constant 0 : i32
    %dma_start3A_451 = tpu.memref_slice %arg5[%add3A_439, %dma_start3A_450] : memref<16384x192xf32, #tpu.memory_space<hbm>> -> memref<64x128xf32, #tpu.memory_space<hbm>>
    %dma_start3A_452 = arith.constant 0 : i32
    %dma_start3A_453 = arith.constant 0 : i32
    %dma_start3A_454 = tpu.memref_slice %arg9[%dma_start3A_440, %dma_start3A_452, %dma_start3A_453] : memref<8x64x128xf32, #tpu.memory_space<vmem>> -> memref<1x64x128xf32, #tpu.memory_space<vmem>>
    %dma_start3A_455 = tpu.memref_squeeze %dma_start3A_454 : memref<1x64x128xf32, #tpu.memory_space<vmem>> -> memref<64x128xf32, #tpu.memory_space<vmem>>
    tpu.enqueue_dma source(%dma_start3A_455 : memref<64x128xf32, #tpu.memory_space<vmem>>) target(%dma_start3A_451 : memref<64x128xf32, #tpu.memory_space<hbm>>) target_semaphore(%dma_start3A_449 : memref<!tpu.dma_semaphore, #tpu.memory_space<semaphore_mem>>)
    %add3A_456 = arith.constant 384 : i32
    %add3A_457 = arith.addi %mul3A_2, %add3A_456 : i32
    %dma_wait3A_458 = arith.constant 6 : i32
    %dma_wait3A_459 = arith.constant 6 : i32
    %dma_wait3A_460 = arith.constant 0 : i32
    %dma_wait3A_461 = arith.constant 0 : i32
    %dma_wait3A_462 = tpu.memref_slice %arg9[%dma_wait3A_458, %dma_wait3A_460, %dma_wait3A_461] : memref<8x64x128xf32, #tpu.memory_space<vmem>> -> memref<1x64x128xf32, #tpu.memory_space<vmem>>
    %dma_wait3A_463 = tpu.memref_squeeze %dma_wait3A_462 : memref<1x64x128xf32, #tpu.memory_space<vmem>> -> memref<64x128xf32, #tpu.memory_space<vmem>>
    %dma_wait3A_464 = arith.constant 0 : i32
    %dma_wait3A_465 = tpu.memref_slice %arg4[%add3A_457, %dma_wait3A_464] : memref<16384x128xf32, #tpu.memory_space<hbm>> -> memref<64x128xf32, #tpu.memory_space<hbm>>
    %dma_wait3A_466 = tpu.memref_slice %arg10[%dma_wait3A_459] : memref<8x!tpu.dma_semaphore, #tpu.memory_space<semaphore_mem>> -> memref<1x!tpu.dma_semaphore, #tpu.memory_space<semaphore_mem>>
    %dma_wait3A_467 = tpu.memref_squeeze %dma_wait3A_466 : memref<1x!tpu.dma_semaphore, #tpu.memory_space<semaphore_mem>> -> memref<!tpu.dma_semaphore, #tpu.memory_space<semaphore_mem>>
    %dma_wait3A_468 = arith.constant 0 : i32
    %dma_wait3A_469 = arith.constant 0 : i32
    %dma_wait3A_470 = tpu.memref_slice %arg9[%dma_wait3A_458, %dma_wait3A_468, %dma_wait3A_469] : memref<8x64x128xf32, #tpu.memory_space<vmem>> -> memref<1x64x128xf32, #tpu.memory_space<vmem>>
    %dma_wait3A_471 = tpu.memref_squeeze %dma_wait3A_470 : memref<1x64x128xf32, #tpu.memory_space<vmem>> -> memref<64x128xf32, #tpu.memory_space<vmem>>
    %dma_wait3A_472 = arith.constant 0 : i32
    %dma_wait3A_473 = tpu.memref_slice %arg4[%add3A_457, %dma_wait3A_472] : memref<16384x128xf32, #tpu.memory_space<hbm>> -> memref<64x128xf32, #tpu.memory_space<hbm>>
    tpu.wait_dma2 semaphore(%dma_wait3A_467 : memref<!tpu.dma_semaphore, #tpu.memory_space<semaphore_mem>>) src(%dma_wait3A_473 : memref<64x128xf32, #tpu.memory_space<hbm>>) dst(%dma_wait3A_471 : memref<64x128xf32, #tpu.memory_space<vmem>>)
    %add3A_474 = arith.constant 384 : i32
    %add3A_475 = arith.addi %mul3A_2, %add3A_474 : i32
    %dma_start3A_476 = arith.constant 6 : i32
    %dma_start3A_477 = arith.constant 6 : i32
    %dma_start3A_478 = arith.constant 0 : i32
    %dma_start3A_479 = arith.constant 0 : i32
    %dma_start3A_480 = tpu.memref_slice %arg9[%dma_start3A_476, %dma_start3A_478, %dma_start3A_479] : memref<8x64x128xf32, #tpu.memory_space<vmem>> -> memref<1x64x128xf32, #tpu.memory_space<vmem>>
    %dma_start3A_481 = tpu.memref_squeeze %dma_start3A_480 : memref<1x64x128xf32, #tpu.memory_space<vmem>> -> memref<64x128xf32, #tpu.memory_space<vmem>>
    %dma_start3A_482 = arith.constant 0 : i32
    %dma_start3A_483 = tpu.memref_slice %arg5[%add3A_475, %dma_start3A_482] : memref<16384x192xf32, #tpu.memory_space<hbm>> -> memref<64x128xf32, #tpu.memory_space<hbm>>
    %dma_start3A_484 = tpu.memref_slice %arg11[%dma_start3A_477] : memref<8x!tpu.dma_semaphore, #tpu.memory_space<semaphore_mem>> -> memref<1x!tpu.dma_semaphore, #tpu.memory_space<semaphore_mem>>
    %dma_start3A_485 = tpu.memref_squeeze %dma_start3A_484 : memref<1x!tpu.dma_semaphore, #tpu.memory_space<semaphore_mem>> -> memref<!tpu.dma_semaphore, #tpu.memory_space<semaphore_mem>>
    %dma_start3A_486 = arith.constant 0 : i32
    %dma_start3A_487 = tpu.memref_slice %arg5[%add3A_475, %dma_start3A_486] : memref<16384x192xf32, #tpu.memory_space<hbm>> -> memref<64x128xf32, #tpu.memory_space<hbm>>
    %dma_start3A_488 = arith.constant 0 : i32
    %dma_start3A_489 = arith.constant 0 : i32
    %dma_start3A_490 = tpu.memref_slice %arg9[%dma_start3A_476, %dma_start3A_488, %dma_start3A_489] : memref<8x64x128xf32, #tpu.memory_space<vmem>> -> memref<1x64x128xf32, #tpu.memory_space<vmem>>
    %dma_start3A_491 = tpu.memref_squeeze %dma_start3A_490 : memref<1x64x128xf32, #tpu.memory_space<vmem>> -> memref<64x128xf32, #tpu.memory_space<vmem>>
    tpu.enqueue_dma source(%dma_start3A_491 : memref<64x128xf32, #tpu.memory_space<vmem>>) target(%dma_start3A_487 : memref<64x128xf32, #tpu.memory_space<hbm>>) target_semaphore(%dma_start3A_485 : memref<!tpu.dma_semaphore, #tpu.memory_space<semaphore_mem>>)
    %add3A_492 = arith.constant 448 : i32
    %add3A_493 = arith.addi %mul3A_2, %add3A_492 : i32
    %dma_wait3A_494 = arith.constant 7 : i32
    %dma_wait3A_495 = arith.constant 7 : i32
    %dma_wait3A_496 = arith.constant 0 : i32
    %dma_wait3A_497 = arith.constant 0 : i32
    %dma_wait3A_498 = tpu.memref_slice %arg9[%dma_wait3A_494, %dma_wait3A_496, %dma_wait3A_497] : memref<8x64x128xf32, #tpu.memory_space<vmem>> -> memref<1x64x128xf32, #tpu.memory_space<vmem>>
    %dma_wait3A_499 = tpu.memref_squeeze %dma_wait3A_498 : memref<1x64x128xf32, #tpu.memory_space<vmem>> -> memref<64x128xf32, #tpu.memory_space<vmem>>
    %dma_wait3A_500 = arith.constant 0 : i32
    %dma_wait3A_501 = tpu.memref_slice %arg4[%add3A_493, %dma_wait3A_500] : memref<16384x128xf32, #tpu.memory_space<hbm>> -> memref<64x128xf32, #tpu.memory_space<hbm>>
    %dma_wait3A_502 = tpu.memref_slice %arg10[%dma_wait3A_495] : memref<8x!tpu.dma_semaphore, #tpu.memory_space<semaphore_mem>> -> memref<1x!tpu.dma_semaphore, #tpu.memory_space<semaphore_mem>>
    %dma_wait3A_503 = tpu.memref_squeeze %dma_wait3A_502 : memref<1x!tpu.dma_semaphore, #tpu.memory_space<semaphore_mem>> -> memref<!tpu.dma_semaphore, #tpu.memory_space<semaphore_mem>>
    %dma_wait3A_504 = arith.constant 0 : i32
    %dma_wait3A_505 = arith.constant 0 : i32
    %dma_wait3A_506 = tpu.memref_slice %arg9[%dma_wait3A_494, %dma_wait3A_504, %dma_wait3A_505] : memref<8x64x128xf32, #tpu.memory_space<vmem>> -> memref<1x64x128xf32, #tpu.memory_space<vmem>>
    %dma_wait3A_507 = tpu.memref_squeeze %dma_wait3A_506 : memref<1x64x128xf32, #tpu.memory_space<vmem>> -> memref<64x128xf32, #tpu.memory_space<vmem>>
    %dma_wait3A_508 = arith.constant 0 : i32
    %dma_wait3A_509 = tpu.memref_slice %arg4[%add3A_493, %dma_wait3A_508] : memref<16384x128xf32, #tpu.memory_space<hbm>> -> memref<64x128xf32, #tpu.memory_space<hbm>>
    tpu.wait_dma2 semaphore(%dma_wait3A_503 : memref<!tpu.dma_semaphore, #tpu.memory_space<semaphore_mem>>) src(%dma_wait3A_509 : memref<64x128xf32, #tpu.memory_space<hbm>>) dst(%dma_wait3A_507 : memref<64x128xf32, #tpu.memory_space<vmem>>)
    %add3A_510 = arith.constant 448 : i32
    %add3A_511 = arith.addi %mul3A_2, %add3A_510 : i32
    %dma_start3A_512 = arith.constant 7 : i32
    %dma_start3A_513 = arith.constant 7 : i32
    %dma_start3A_514 = arith.constant 0 : i32
    %dma_start3A_515 = arith.constant 0 : i32
    %dma_start3A_516 = tpu.memref_slice %arg9[%dma_start3A_512, %dma_start3A_514, %dma_start3A_515] : memref<8x64x128xf32, #tpu.memory_space<vmem>> -> memref<1x64x128xf32, #tpu.memory_space<vmem>>
    %dma_start3A_517 = tpu.memref_squeeze %dma_start3A_516 : memref<1x64x128xf32, #tpu.memory_space<vmem>> -> memref<64x128xf32, #tpu.memory_space<vmem>>
    %dma_start3A_518 = arith.constant 0 : i32
    %dma_start3A_519 = tpu.memref_slice %arg5[%add3A_511, %dma_start3A_518] : memref<16384x192xf32, #tpu.memory_space<hbm>> -> memref<64x128xf32, #tpu.memory_space<hbm>>
    %dma_start3A_520 = tpu.memref_slice %arg11[%dma_start3A_513] : memref<8x!tpu.dma_semaphore, #tpu.memory_space<semaphore_mem>> -> memref<1x!tpu.dma_semaphore, #tpu.memory_space<semaphore_mem>>
    %dma_start3A_521 = tpu.memref_squeeze %dma_start3A_520 : memref<1x!tpu.dma_semaphore, #tpu.memory_space<semaphore_mem>> -> memref<!tpu.dma_semaphore, #tpu.memory_space<semaphore_mem>>
    %dma_start3A_522 = arith.constant 0 : i32
    %dma_start3A_523 = tpu.memref_slice %arg5[%add3A_511, %dma_start3A_522] : memref<16384x192xf32, #tpu.memory_space<hbm>> -> memref<64x128xf32, #tpu.memory_space<hbm>>
    %dma_start3A_524 = arith.constant 0 : i32
    %dma_start3A_525 = arith.constant 0 : i32
    %dma_start3A_526 = tpu.memref_slice %arg9[%dma_start3A_512, %dma_start3A_524, %dma_start3A_525] : memref<8x64x128xf32, #tpu.memory_space<vmem>> -> memref<1x64x128xf32, #tpu.memory_space<vmem>>
    %dma_start3A_527 = tpu.memref_squeeze %dma_start3A_526 : memref<1x64x128xf32, #tpu.memory_space<vmem>> -> memref<64x128xf32, #tpu.memory_space<vmem>>
    tpu.enqueue_dma source(%dma_start3A_527 : memref<64x128xf32, #tpu.memory_space<vmem>>) target(%dma_start3A_523 : memref<64x128xf32, #tpu.memory_space<hbm>>) target_semaphore(%dma_start3A_521 : memref<!tpu.dma_semaphore, #tpu.memory_space<semaphore_mem>>)
    %add3A_528 = arith.constant 0 : i32
    %add3A_529 = arith.addi %mul3A_2, %add3A_528 : i32
    %dma_wait3A_530 = arith.constant 0 : i32
    %dma_wait3A_531 = arith.constant 0 : i32
    %dma_wait3A_532 = arith.constant 0 : i32
    %dma_wait3A_533 = arith.constant 0 : i32
    %dma_wait3A_534 = tpu.memref_slice %arg9[%dma_wait3A_530, %dma_wait3A_532, %dma_wait3A_533] : memref<8x64x128xf32, #tpu.memory_space<vmem>> -> memref<1x64x128xf32, #tpu.memory_space<vmem>>
    %dma_wait3A_535 = tpu.memref_squeeze %dma_wait3A_534 : memref<1x64x128xf32, #tpu.memory_space<vmem>> -> memref<64x128xf32, #tpu.memory_space<vmem>>
    %dma_wait3A_536 = arith.constant 0 : i32
    %dma_wait3A_537 = tpu.memref_slice %arg5[%add3A_529, %dma_wait3A_536] : memref<16384x192xf32, #tpu.memory_space<hbm>> -> memref<64x128xf32, #tpu.memory_space<hbm>>
    %dma_wait3A_538 = tpu.memref_slice %arg11[%dma_wait3A_531] : memref<8x!tpu.dma_semaphore, #tpu.memory_space<semaphore_mem>> -> memref<1x!tpu.dma_semaphore, #tpu.memory_space<semaphore_mem>>
    %dma_wait3A_539 = tpu.memref_squeeze %dma_wait3A_538 : memref<1x!tpu.dma_semaphore, #tpu.memory_space<semaphore_mem>> -> memref<!tpu.dma_semaphore, #tpu.memory_space<semaphore_mem>>
    %dma_wait3A_540 = arith.constant 0 : i32
    %dma_wait3A_541 = tpu.memref_slice %arg5[%add3A_529, %dma_wait3A_540] : memref<16384x192xf32, #tpu.memory_space<hbm>> -> memref<64x128xf32, #tpu.memory_space<hbm>>
    %dma_wait3A_542 = arith.constant 0 : i32
    %dma_wait3A_543 = arith.constant 0 : i32
    %dma_wait3A_544 = tpu.memref_slice %arg9[%dma_wait3A_530, %dma_wait3A_542, %dma_wait3A_543] : memref<8x64x128xf32, #tpu.memory_space<vmem>> -> memref<1x64x128xf32, #tpu.memory_space<vmem>>
    %dma_wait3A_545 = tpu.memref_squeeze %dma_wait3A_544 : memref<1x64x128xf32, #tpu.memory_space<vmem>> -> memref<64x128xf32, #tpu.memory_space<vmem>>
    tpu.wait_dma2 semaphore(%dma_wait3A_539 : memref<!tpu.dma_semaphore, #tpu.memory_space<semaphore_mem>>) src(%dma_wait3A_545 : memref<64x128xf32, #tpu.memory_space<vmem>>) dst(%dma_wait3A_541 : memref<64x128xf32, #tpu.memory_space<hbm>>)
    %add3A_546 = arith.constant 0 : i32
    %add3A_547 = arith.addi %mul3A_2, %add3A_546 : i32
    %dma_wait3A_548 = arith.constant 0 : i32
    %dma_wait3A_549 = arith.constant 128 : i32
    %dma_wait3A_550 = tpu.memref_slice %arg5[%add3A_547, %dma_wait3A_549] : memref<16384x192xf32, #tpu.memory_space<hbm>> -> memref<64x64xf32, #tpu.memory_space<hbm>>
    %dma_wait3A_551 = tpu.memref_slice %arg12[%dma_wait3A_548] : memref<8x!tpu.dma_semaphore, #tpu.memory_space<semaphore_mem>> -> memref<1x!tpu.dma_semaphore, #tpu.memory_space<semaphore_mem>>
    %dma_wait3A_552 = tpu.memref_squeeze %dma_wait3A_551 : memref<1x!tpu.dma_semaphore, #tpu.memory_space<semaphore_mem>> -> memref<!tpu.dma_semaphore, #tpu.memory_space<semaphore_mem>>
    %dma_wait3A_553 = arith.constant 128 : i32
    %dma_wait3A_554 = tpu.memref_slice %arg5[%add3A_547, %dma_wait3A_553] : memref<16384x192xf32, #tpu.memory_space<hbm>> -> memref<64x64xf32, #tpu.memory_space<hbm>>
    tpu.wait_dma2 semaphore(%dma_wait3A_552 : memref<!tpu.dma_semaphore, #tpu.memory_space<semaphore_mem>>) src(%arg8 : memref<64x64xf32, #tpu.memory_space<vmem>>) dst(%dma_wait3A_554 : memref<64x64xf32, #tpu.memory_space<hbm>>)
    %add3A_555 = arith.constant 64 : i32
    %add3A_556 = arith.addi %mul3A_2, %add3A_555 : i32
    %dma_wait3A_557 = arith.constant 1 : i32
    %dma_wait3A_558 = arith.constant 1 : i32
    %dma_wait3A_559 = arith.constant 0 : i32
    %dma_wait3A_560 = arith.constant 0 : i32
    %dma_wait3A_561 = tpu.memref_slice %arg9[%dma_wait3A_557, %dma_wait3A_559, %dma_wait3A_560] : memref<8x64x128xf32, #tpu.memory_space<vmem>> -> memref<1x64x128xf32, #tpu.memory_space<vmem>>
    %dma_wait3A_562 = tpu.memref_squeeze %dma_wait3A_561 : memref<1x64x128xf32, #tpu.memory_space<vmem>> -> memref<64x128xf32, #tpu.memory_space<vmem>>
    %dma_wait3A_563 = arith.constant 0 : i32
    %dma_wait3A_564 = tpu.memref_slice %arg5[%add3A_556, %dma_wait3A_563] : memref<16384x192xf32, #tpu.memory_space<hbm>> -> memref<64x128xf32, #tpu.memory_space<hbm>>
    %dma_wait3A_565 = tpu.memref_slice %arg11[%dma_wait3A_558] : memref<8x!tpu.dma_semaphore, #tpu.memory_space<semaphore_mem>> -> memref<1x!tpu.dma_semaphore, #tpu.memory_space<semaphore_mem>>
    %dma_wait3A_566 = tpu.memref_squeeze %dma_wait3A_565 : memref<1x!tpu.dma_semaphore, #tpu.memory_space<semaphore_mem>> -> memref<!tpu.dma_semaphore, #tpu.memory_space<semaphore_mem>>
    %dma_wait3A_567 = arith.constant 0 : i32
    %dma_wait3A_568 = tpu.memref_slice %arg5[%add3A_556, %dma_wait3A_567] : memref<16384x192xf32, #tpu.memory_space<hbm>> -> memref<64x128xf32, #tpu.memory_space<hbm>>
    %dma_wait3A_569 = arith.constant 0 : i32
    %dma_wait3A_570 = arith.constant 0 : i32
    %dma_wait3A_571 = tpu.memref_slice %arg9[%dma_wait3A_557, %dma_wait3A_569, %dma_wait3A_570] : memref<8x64x128xf32, #tpu.memory_space<vmem>> -> memref<1x64x128xf32, #tpu.memory_space<vmem>>
    %dma_wait3A_572 = tpu.memref_squeeze %dma_wait3A_571 : memref<1x64x128xf32, #tpu.memory_space<vmem>> -> memref<64x128xf32, #tpu.memory_space<vmem>>
    tpu.wait_dma2 semaphore(%dma_wait3A_566 : memref<!tpu.dma_semaphore, #tpu.memory_space<semaphore_mem>>) src(%dma_wait3A_572 : memref<64x128xf32, #tpu.memory_space<vmem>>) dst(%dma_wait3A_568 : memref<64x128xf32, #tpu.memory_space<hbm>>)
    %add3A_573 = arith.constant 64 : i32
    %add3A_574 = arith.addi %mul3A_2, %add3A_573 : i32
    %dma_wait3A_575 = arith.constant 1 : i32
    %dma_wait3A_576 = arith.constant 128 : i32
    %dma_wait3A_577 = tpu.memref_slice %arg5[%add3A_574, %dma_wait3A_576] : memref<16384x192xf32, #tpu.memory_space<hbm>> -> memref<64x64xf32, #tpu.memory_space<hbm>>
    %dma_wait3A_578 = tpu.memref_slice %arg12[%dma_wait3A_575] : memref<8x!tpu.dma_semaphore, #tpu.memory_space<semaphore_mem>> -> memref<1x!tpu.dma_semaphore, #tpu.memory_space<semaphore_mem>>
    %dma_wait3A_579 = tpu.memref_squeeze %dma_wait3A_578 : memref<1x!tpu.dma_semaphore, #tpu.memory_space<semaphore_mem>> -> memref<!tpu.dma_semaphore, #tpu.memory_space<semaphore_mem>>
    %dma_wait3A_580 = arith.constant 128 : i32
    %dma_wait3A_581 = tpu.memref_slice %arg5[%add3A_574, %dma_wait3A_580] : memref<16384x192xf32, #tpu.memory_space<hbm>> -> memref<64x64xf32, #tpu.memory_space<hbm>>
    tpu.wait_dma2 semaphore(%dma_wait3A_579 : memref<!tpu.dma_semaphore, #tpu.memory_space<semaphore_mem>>) src(%arg8 : memref<64x64xf32, #tpu.memory_space<vmem>>) dst(%dma_wait3A_581 : memref<64x64xf32, #tpu.memory_space<hbm>>)
    %add3A_582 = arith.constant 128 : i32
    %add3A_583 = arith.addi %mul3A_2, %add3A_582 : i32
    %dma_wait3A_584 = arith.constant 2 : i32
    %dma_wait3A_585 = arith.constant 2 : i32
    %dma_wait3A_586 = arith.constant 0 : i32
    %dma_wait3A_587 = arith.constant 0 : i32
    %dma_wait3A_588 = tpu.memref_slice %arg9[%dma_wait3A_584, %dma_wait3A_586, %dma_wait3A_587] : memref<8x64x128xf32, #tpu.memory_space<vmem>> -> memref<1x64x128xf32, #tpu.memory_space<vmem>>
    %dma_wait3A_589 = tpu.memref_squeeze %dma_wait3A_588 : memref<1x64x128xf32, #tpu.memory_space<vmem>> -> memref<64x128xf32, #tpu.memory_space<vmem>>
    %dma_wait3A_590 = arith.constant 0 : i32
    %dma_wait3A_591 = tpu.memref_slice %arg5[%add3A_583, %dma_wait3A_590] : memref<16384x192xf32, #tpu.memory_space<hbm>> -> memref<64x128xf32, #tpu.memory_space<hbm>>
    %dma_wait3A_592 = tpu.memref_slice %arg11[%dma_wait3A_585] : memref<8x!tpu.dma_semaphore, #tpu.memory_space<semaphore_mem>> -> memref<1x!tpu.dma_semaphore, #tpu.memory_space<semaphore_mem>>
    %dma_wait3A_593 = tpu.memref_squeeze %dma_wait3A_592 : memref<1x!tpu.dma_semaphore, #tpu.memory_space<semaphore_mem>> -> memref<!tpu.dma_semaphore, #tpu.memory_space<semaphore_mem>>
    %dma_wait3A_594 = arith.constant 0 : i32
    %dma_wait3A_595 = tpu.memref_slice %arg5[%add3A_583, %dma_wait3A_594] : memref<16384x192xf32, #tpu.memory_space<hbm>> -> memref<64x128xf32, #tpu.memory_space<hbm>>
    %dma_wait3A_596 = arith.constant 0 : i32
    %dma_wait3A_597 = arith.constant 0 : i32
    %dma_wait3A_598 = tpu.memref_slice %arg9[%dma_wait3A_584, %dma_wait3A_596, %dma_wait3A_597] : memref<8x64x128xf32, #tpu.memory_space<vmem>> -> memref<1x64x128xf32, #tpu.memory_space<vmem>>
    %dma_wait3A_599 = tpu.memref_squeeze %dma_wait3A_598 : memref<1x64x128xf32, #tpu.memory_space<vmem>> -> memref<64x128xf32, #tpu.memory_space<vmem>>
    tpu.wait_dma2 semaphore(%dma_wait3A_593 : memref<!tpu.dma_semaphore, #tpu.memory_space<semaphore_mem>>) src(%dma_wait3A_599 : memref<64x128xf32, #tpu.memory_space<vmem>>) dst(%dma_wait3A_595 : memref<64x128xf32, #tpu.memory_space<hbm>>)
    %add3A_600 = arith.constant 128 : i32
    %add3A_601 = arith.addi %mul3A_2, %add3A_600 : i32
    %dma_wait3A_602 = arith.constant 2 : i32
    %dma_wait3A_603 = arith.constant 128 : i32
    %dma_wait3A_604 = tpu.memref_slice %arg5[%add3A_601, %dma_wait3A_603] : memref<16384x192xf32, #tpu.memory_space<hbm>> -> memref<64x64xf32, #tpu.memory_space<hbm>>
    %dma_wait3A_605 = tpu.memref_slice %arg12[%dma_wait3A_602] : memref<8x!tpu.dma_semaphore, #tpu.memory_space<semaphore_mem>> -> memref<1x!tpu.dma_semaphore, #tpu.memory_space<semaphore_mem>>
    %dma_wait3A_606 = tpu.memref_squeeze %dma_wait3A_605 : memref<1x!tpu.dma_semaphore, #tpu.memory_space<semaphore_mem>> -> memref<!tpu.dma_semaphore, #tpu.memory_space<semaphore_mem>>
    %dma_wait3A_607 = arith.constant 128 : i32
    %dma_wait3A_608 = tpu.memref_slice %arg5[%add3A_601, %dma_wait3A_607] : memref<16384x192xf32, #tpu.memory_space<hbm>> -> memref<64x64xf32, #tpu.memory_space<hbm>>
    tpu.wait_dma2 semaphore(%dma_wait3A_606 : memref<!tpu.dma_semaphore, #tpu.memory_space<semaphore_mem>>) src(%arg8 : memref<64x64xf32, #tpu.memory_space<vmem>>) dst(%dma_wait3A_608 : memref<64x64xf32, #tpu.memory_space<hbm>>)
    %add3A_609 = arith.constant 192 : i32
    %add3A_610 = arith.addi %mul3A_2, %add3A_609 : i32
    %dma_wait3A_611 = arith.constant 3 : i32
    %dma_wait3A_612 = arith.constant 3 : i32
    %dma_wait3A_613 = arith.constant 0 : i32
    %dma_wait3A_614 = arith.constant 0 : i32
    %dma_wait3A_615 = tpu.memref_slice %arg9[%dma_wait3A_611, %dma_wait3A_613, %dma_wait3A_614] : memref<8x64x128xf32, #tpu.memory_space<vmem>> -> memref<1x64x128xf32, #tpu.memory_space<vmem>>
    %dma_wait3A_616 = tpu.memref_squeeze %dma_wait3A_615 : memref<1x64x128xf32, #tpu.memory_space<vmem>> -> memref<64x128xf32, #tpu.memory_space<vmem>>
    %dma_wait3A_617 = arith.constant 0 : i32
    %dma_wait3A_618 = tpu.memref_slice %arg5[%add3A_610, %dma_wait3A_617] : memref<16384x192xf32, #tpu.memory_space<hbm>> -> memref<64x128xf32, #tpu.memory_space<hbm>>
    %dma_wait3A_619 = tpu.memref_slice %arg11[%dma_wait3A_612] : memref<8x!tpu.dma_semaphore, #tpu.memory_space<semaphore_mem>> -> memref<1x!tpu.dma_semaphore, #tpu.memory_space<semaphore_mem>>
    %dma_wait3A_620 = tpu.memref_squeeze %dma_wait3A_619 : memref<1x!tpu.dma_semaphore, #tpu.memory_space<semaphore_mem>> -> memref<!tpu.dma_semaphore, #tpu.memory_space<semaphore_mem>>
    %dma_wait3A_621 = arith.constant 0 : i32
    %dma_wait3A_622 = tpu.memref_slice %arg5[%add3A_610, %dma_wait3A_621] : memref<16384x192xf32, #tpu.memory_space<hbm>> -> memref<64x128xf32, #tpu.memory_space<hbm>>
    %dma_wait3A_623 = arith.constant 0 : i32
    %dma_wait3A_624 = arith.constant 0 : i32
    %dma_wait3A_625 = tpu.memref_slice %arg9[%dma_wait3A_611, %dma_wait3A_623, %dma_wait3A_624] : memref<8x64x128xf32, #tpu.memory_space<vmem>> -> memref<1x64x128xf32, #tpu.memory_space<vmem>>
    %dma_wait3A_626 = tpu.memref_squeeze %dma_wait3A_625 : memref<1x64x128xf32, #tpu.memory_space<vmem>> -> memref<64x128xf32, #tpu.memory_space<vmem>>
    tpu.wait_dma2 semaphore(%dma_wait3A_620 : memref<!tpu.dma_semaphore, #tpu.memory_space<semaphore_mem>>) src(%dma_wait3A_626 : memref<64x128xf32, #tpu.memory_space<vmem>>) dst(%dma_wait3A_622 : memref<64x128xf32, #tpu.memory_space<hbm>>)
    %add3A_627 = arith.constant 192 : i32
    %add3A_628 = arith.addi %mul3A_2, %add3A_627 : i32
    %dma_wait3A_629 = arith.constant 3 : i32
    %dma_wait3A_630 = arith.constant 128 : i32
    %dma_wait3A_631 = tpu.memref_slice %arg5[%add3A_628, %dma_wait3A_630] : memref<16384x192xf32, #tpu.memory_space<hbm>> -> memref<64x64xf32, #tpu.memory_space<hbm>>
    %dma_wait3A_632 = tpu.memref_slice %arg12[%dma_wait3A_629] : memref<8x!tpu.dma_semaphore, #tpu.memory_space<semaphore_mem>> -> memref<1x!tpu.dma_semaphore, #tpu.memory_space<semaphore_mem>>
    %dma_wait3A_633 = tpu.memref_squeeze %dma_wait3A_632 : memref<1x!tpu.dma_semaphore, #tpu.memory_space<semaphore_mem>> -> memref<!tpu.dma_semaphore, #tpu.memory_space<semaphore_mem>>
    %dma_wait3A_634 = arith.constant 128 : i32
    %dma_wait3A_635 = tpu.memref_slice %arg5[%add3A_628, %dma_wait3A_634] : memref<16384x192xf32, #tpu.memory_space<hbm>> -> memref<64x64xf32, #tpu.memory_space<hbm>>
    tpu.wait_dma2 semaphore(%dma_wait3A_633 : memref<!tpu.dma_semaphore, #tpu.memory_space<semaphore_mem>>) src(%arg8 : memref<64x64xf32, #tpu.memory_space<vmem>>) dst(%dma_wait3A_635 : memref<64x64xf32, #tpu.memory_space<hbm>>)
    %add3A_636 = arith.constant 256 : i32
    %add3A_637 = arith.addi %mul3A_2, %add3A_636 : i32
    %dma_wait3A_638 = arith.constant 4 : i32
    %dma_wait3A_639 = arith.constant 4 : i32
    %dma_wait3A_640 = arith.constant 0 : i32
    %dma_wait3A_641 = arith.constant 0 : i32
    %dma_wait3A_642 = tpu.memref_slice %arg9[%dma_wait3A_638, %dma_wait3A_640, %dma_wait3A_641] : memref<8x64x128xf32, #tpu.memory_space<vmem>> -> memref<1x64x128xf32, #tpu.memory_space<vmem>>
    %dma_wait3A_643 = tpu.memref_squeeze %dma_wait3A_642 : memref<1x64x128xf32, #tpu.memory_space<vmem>> -> memref<64x128xf32, #tpu.memory_space<vmem>>
    %dma_wait3A_644 = arith.constant 0 : i32
    %dma_wait3A_645 = tpu.memref_slice %arg5[%add3A_637, %dma_wait3A_644] : memref<16384x192xf32, #tpu.memory_space<hbm>> -> memref<64x128xf32, #tpu.memory_space<hbm>>
    %dma_wait3A_646 = tpu.memref_slice %arg11[%dma_wait3A_639] : memref<8x!tpu.dma_semaphore, #tpu.memory_space<semaphore_mem>> -> memref<1x!tpu.dma_semaphore, #tpu.memory_space<semaphore_mem>>
    %dma_wait3A_647 = tpu.memref_squeeze %dma_wait3A_646 : memref<1x!tpu.dma_semaphore, #tpu.memory_space<semaphore_mem>> -> memref<!tpu.dma_semaphore, #tpu.memory_space<semaphore_mem>>
    %dma_wait3A_648 = arith.constant 0 : i32
    %dma_wait3A_649 = tpu.memref_slice %arg5[%add3A_637, %dma_wait3A_648] : memref<16384x192xf32, #tpu.memory_space<hbm>> -> memref<64x128xf32, #tpu.memory_space<hbm>>
    %dma_wait3A_650 = arith.constant 0 : i32
    %dma_wait3A_651 = arith.constant 0 : i32
    %dma_wait3A_652 = tpu.memref_slice %arg9[%dma_wait3A_638, %dma_wait3A_650, %dma_wait3A_651] : memref<8x64x128xf32, #tpu.memory_space<vmem>> -> memref<1x64x128xf32, #tpu.memory_space<vmem>>
    %dma_wait3A_653 = tpu.memref_squeeze %dma_wait3A_652 : memref<1x64x128xf32, #tpu.memory_space<vmem>> -> memref<64x128xf32, #tpu.memory_space<vmem>>
    tpu.wait_dma2 semaphore(%dma_wait3A_647 : memref<!tpu.dma_semaphore, #tpu.memory_space<semaphore_mem>>) src(%dma_wait3A_653 : memref<64x128xf32, #tpu.memory_space<vmem>>) dst(%dma_wait3A_649 : memref<64x128xf32, #tpu.memory_space<hbm>>)
    %add3A_654 = arith.constant 256 : i32
    %add3A_655 = arith.addi %mul3A_2, %add3A_654 : i32
    %dma_wait3A_656 = arith.constant 4 : i32
    %dma_wait3A_657 = arith.constant 128 : i32
    %dma_wait3A_658 = tpu.memref_slice %arg5[%add3A_655, %dma_wait3A_657] : memref<16384x192xf32, #tpu.memory_space<hbm>> -> memref<64x64xf32, #tpu.memory_space<hbm>>
    %dma_wait3A_659 = tpu.memref_slice %arg12[%dma_wait3A_656] : memref<8x!tpu.dma_semaphore, #tpu.memory_space<semaphore_mem>> -> memref<1x!tpu.dma_semaphore, #tpu.memory_space<semaphore_mem>>
    %dma_wait3A_660 = tpu.memref_squeeze %dma_wait3A_659 : memref<1x!tpu.dma_semaphore, #tpu.memory_space<semaphore_mem>> -> memref<!tpu.dma_semaphore, #tpu.memory_space<semaphore_mem>>
    %dma_wait3A_661 = arith.constant 128 : i32
    %dma_wait3A_662 = tpu.memref_slice %arg5[%add3A_655, %dma_wait3A_661] : memref<16384x192xf32, #tpu.memory_space<hbm>> -> memref<64x64xf32, #tpu.memory_space<hbm>>
    tpu.wait_dma2 semaphore(%dma_wait3A_660 : memref<!tpu.dma_semaphore, #tpu.memory_space<semaphore_mem>>) src(%arg8 : memref<64x64xf32, #tpu.memory_space<vmem>>) dst(%dma_wait3A_662 : memref<64x64xf32, #tpu.memory_space<hbm>>)
    %add3A_663 = arith.constant 320 : i32
    %add3A_664 = arith.addi %mul3A_2, %add3A_663 : i32
    %dma_wait3A_665 = arith.constant 5 : i32
    %dma_wait3A_666 = arith.constant 5 : i32
    %dma_wait3A_667 = arith.constant 0 : i32
    %dma_wait3A_668 = arith.constant 0 : i32
    %dma_wait3A_669 = tpu.memref_slice %arg9[%dma_wait3A_665, %dma_wait3A_667, %dma_wait3A_668] : memref<8x64x128xf32, #tpu.memory_space<vmem>> -> memref<1x64x128xf32, #tpu.memory_space<vmem>>
    %dma_wait3A_670 = tpu.memref_squeeze %dma_wait3A_669 : memref<1x64x128xf32, #tpu.memory_space<vmem>> -> memref<64x128xf32, #tpu.memory_space<vmem>>
    %dma_wait3A_671 = arith.constant 0 : i32
    %dma_wait3A_672 = tpu.memref_slice %arg5[%add3A_664, %dma_wait3A_671] : memref<16384x192xf32, #tpu.memory_space<hbm>> -> memref<64x128xf32, #tpu.memory_space<hbm>>
    %dma_wait3A_673 = tpu.memref_slice %arg11[%dma_wait3A_666] : memref<8x!tpu.dma_semaphore, #tpu.memory_space<semaphore_mem>> -> memref<1x!tpu.dma_semaphore, #tpu.memory_space<semaphore_mem>>
    %dma_wait3A_674 = tpu.memref_squeeze %dma_wait3A_673 : memref<1x!tpu.dma_semaphore, #tpu.memory_space<semaphore_mem>> -> memref<!tpu.dma_semaphore, #tpu.memory_space<semaphore_mem>>
    %dma_wait3A_675 = arith.constant 0 : i32
    %dma_wait3A_676 = tpu.memref_slice %arg5[%add3A_664, %dma_wait3A_675] : memref<16384x192xf32, #tpu.memory_space<hbm>> -> memref<64x128xf32, #tpu.memory_space<hbm>>
    %dma_wait3A_677 = arith.constant 0 : i32
    %dma_wait3A_678 = arith.constant 0 : i32
    %dma_wait3A_679 = tpu.memref_slice %arg9[%dma_wait3A_665, %dma_wait3A_677, %dma_wait3A_678] : memref<8x64x128xf32, #tpu.memory_space<vmem>> -> memref<1x64x128xf32, #tpu.memory_space<vmem>>
    %dma_wait3A_680 = tpu.memref_squeeze %dma_wait3A_679 : memref<1x64x128xf32, #tpu.memory_space<vmem>> -> memref<64x128xf32, #tpu.memory_space<vmem>>
    tpu.wait_dma2 semaphore(%dma_wait3A_674 : memref<!tpu.dma_semaphore, #tpu.memory_space<semaphore_mem>>) src(%dma_wait3A_680 : memref<64x128xf32, #tpu.memory_space<vmem>>) dst(%dma_wait3A_676 : memref<64x128xf32, #tpu.memory_space<hbm>>)
    %add3A_681 = arith.constant 320 : i32
    %add3A_682 = arith.addi %mul3A_2, %add3A_681 : i32
    %dma_wait3A_683 = arith.constant 5 : i32
    %dma_wait3A_684 = arith.constant 128 : i32
    %dma_wait3A_685 = tpu.memref_slice %arg5[%add3A_682, %dma_wait3A_684] : memref<16384x192xf32, #tpu.memory_space<hbm>> -> memref<64x64xf32, #tpu.memory_space<hbm>>
    %dma_wait3A_686 = tpu.memref_slice %arg12[%dma_wait3A_683] : memref<8x!tpu.dma_semaphore, #tpu.memory_space<semaphore_mem>> -> memref<1x!tpu.dma_semaphore, #tpu.memory_space<semaphore_mem>>
    %dma_wait3A_687 = tpu.memref_squeeze %dma_wait3A_686 : memref<1x!tpu.dma_semaphore, #tpu.memory_space<semaphore_mem>> -> memref<!tpu.dma_semaphore, #tpu.memory_space<semaphore_mem>>
    %dma_wait3A_688 = arith.constant 128 : i32
    %dma_wait3A_689 = tpu.memref_slice %arg5[%add3A_682, %dma_wait3A_688] : memref<16384x192xf32, #tpu.memory_space<hbm>> -> memref<64x64xf32, #tpu.memory_space<hbm>>
    tpu.wait_dma2 semaphore(%dma_wait3A_687 : memref<!tpu.dma_semaphore, #tpu.memory_space<semaphore_mem>>) src(%arg8 : memref<64x64xf32, #tpu.memory_space<vmem>>) dst(%dma_wait3A_689 : memref<64x64xf32, #tpu.memory_space<hbm>>)
    %add3A_690 = arith.constant 384 : i32
    %add3A_691 = arith.addi %mul3A_2, %add3A_690 : i32
    %dma_wait3A_692 = arith.constant 6 : i32
    %dma_wait3A_693 = arith.constant 6 : i32
    %dma_wait3A_694 = arith.constant 0 : i32
    %dma_wait3A_695 = arith.constant 0 : i32
    %dma_wait3A_696 = tpu.memref_slice %arg9[%dma_wait3A_692, %dma_wait3A_694, %dma_wait3A_695] : memref<8x64x128xf32, #tpu.memory_space<vmem>> -> memref<1x64x128xf32, #tpu.memory_space<vmem>>
    %dma_wait3A_697 = tpu.memref_squeeze %dma_wait3A_696 : memref<1x64x128xf32, #tpu.memory_space<vmem>> -> memref<64x128xf32, #tpu.memory_space<vmem>>
    %dma_wait3A_698 = arith.constant 0 : i32
    %dma_wait3A_699 = tpu.memref_slice %arg5[%add3A_691, %dma_wait3A_698] : memref<16384x192xf32, #tpu.memory_space<hbm>> -> memref<64x128xf32, #tpu.memory_space<hbm>>
    %dma_wait3A_700 = tpu.memref_slice %arg11[%dma_wait3A_693] : memref<8x!tpu.dma_semaphore, #tpu.memory_space<semaphore_mem>> -> memref<1x!tpu.dma_semaphore, #tpu.memory_space<semaphore_mem>>
    %dma_wait3A_701 = tpu.memref_squeeze %dma_wait3A_700 : memref<1x!tpu.dma_semaphore, #tpu.memory_space<semaphore_mem>> -> memref<!tpu.dma_semaphore, #tpu.memory_space<semaphore_mem>>
    %dma_wait3A_702 = arith.constant 0 : i32
    %dma_wait3A_703 = tpu.memref_slice %arg5[%add3A_691, %dma_wait3A_702] : memref<16384x192xf32, #tpu.memory_space<hbm>> -> memref<64x128xf32, #tpu.memory_space<hbm>>
    %dma_wait3A_704 = arith.constant 0 : i32
    %dma_wait3A_705 = arith.constant 0 : i32
    %dma_wait3A_706 = tpu.memref_slice %arg9[%dma_wait3A_692, %dma_wait3A_704, %dma_wait3A_705] : memref<8x64x128xf32, #tpu.memory_space<vmem>> -> memref<1x64x128xf32, #tpu.memory_space<vmem>>
    %dma_wait3A_707 = tpu.memref_squeeze %dma_wait3A_706 : memref<1x64x128xf32, #tpu.memory_space<vmem>> -> memref<64x128xf32, #tpu.memory_space<vmem>>
    tpu.wait_dma2 semaphore(%dma_wait3A_701 : memref<!tpu.dma_semaphore, #tpu.memory_space<semaphore_mem>>) src(%dma_wait3A_707 : memref<64x128xf32, #tpu.memory_space<vmem>>) dst(%dma_wait3A_703 : memref<64x128xf32, #tpu.memory_space<hbm>>)
    %add3A_708 = arith.constant 384 : i32
    %add3A_709 = arith.addi %mul3A_2, %add3A_708 : i32
    %dma_wait3A_710 = arith.constant 6 : i32
    %dma_wait3A_711 = arith.constant 128 : i32
    %dma_wait3A_712 = tpu.memref_slice %arg5[%add3A_709, %dma_wait3A_711] : memref<16384x192xf32, #tpu.memory_space<hbm>> -> memref<64x64xf32, #tpu.memory_space<hbm>>
    %dma_wait3A_713 = tpu.memref_slice %arg12[%dma_wait3A_710] : memref<8x!tpu.dma_semaphore, #tpu.memory_space<semaphore_mem>> -> memref<1x!tpu.dma_semaphore, #tpu.memory_space<semaphore_mem>>
    %dma_wait3A_714 = tpu.memref_squeeze %dma_wait3A_713 : memref<1x!tpu.dma_semaphore, #tpu.memory_space<semaphore_mem>> -> memref<!tpu.dma_semaphore, #tpu.memory_space<semaphore_mem>>
    %dma_wait3A_715 = arith.constant 128 : i32
    %dma_wait3A_716 = tpu.memref_slice %arg5[%add3A_709, %dma_wait3A_715] : memref<16384x192xf32, #tpu.memory_space<hbm>> -> memref<64x64xf32, #tpu.memory_space<hbm>>
    tpu.wait_dma2 semaphore(%dma_wait3A_714 : memref<!tpu.dma_semaphore, #tpu.memory_space<semaphore_mem>>) src(%arg8 : memref<64x64xf32, #tpu.memory_space<vmem>>) dst(%dma_wait3A_716 : memref<64x64xf32, #tpu.memory_space<hbm>>)
    %add3A_717 = arith.constant 448 : i32
    %add3A_718 = arith.addi %mul3A_2, %add3A_717 : i32
    %dma_wait3A_719 = arith.constant 7 : i32
    %dma_wait3A_720 = arith.constant 7 : i32
    %dma_wait3A_721 = arith.constant 0 : i32
    %dma_wait3A_722 = arith.constant 0 : i32
    %dma_wait3A_723 = tpu.memref_slice %arg9[%dma_wait3A_719, %dma_wait3A_721, %dma_wait3A_722] : memref<8x64x128xf32, #tpu.memory_space<vmem>> -> memref<1x64x128xf32, #tpu.memory_space<vmem>>
    %dma_wait3A_724 = tpu.memref_squeeze %dma_wait3A_723 : memref<1x64x128xf32, #tpu.memory_space<vmem>> -> memref<64x128xf32, #tpu.memory_space<vmem>>
    %dma_wait3A_725 = arith.constant 0 : i32
    %dma_wait3A_726 = tpu.memref_slice %arg5[%add3A_718, %dma_wait3A_725] : memref<16384x192xf32, #tpu.memory_space<hbm>> -> memref<64x128xf32, #tpu.memory_space<hbm>>
    %dma_wait3A_727 = tpu.memref_slice %arg11[%dma_wait3A_720] : memref<8x!tpu.dma_semaphore, #tpu.memory_space<semaphore_mem>> -> memref<1x!tpu.dma_semaphore, #tpu.memory_space<semaphore_mem>>
    %dma_wait3A_728 = tpu.memref_squeeze %dma_wait3A_727 : memref<1x!tpu.dma_semaphore, #tpu.memory_space<semaphore_mem>> -> memref<!tpu.dma_semaphore, #tpu.memory_space<semaphore_mem>>
    %dma_wait3A_729 = arith.constant 0 : i32
    %dma_wait3A_730 = tpu.memref_slice %arg5[%add3A_718, %dma_wait3A_729] : memref<16384x192xf32, #tpu.memory_space<hbm>> -> memref<64x128xf32, #tpu.memory_space<hbm>>
    %dma_wait3A_731 = arith.constant 0 : i32
    %dma_wait3A_732 = arith.constant 0 : i32
    %dma_wait3A_733 = tpu.memref_slice %arg9[%dma_wait3A_719, %dma_wait3A_731, %dma_wait3A_732] : memref<8x64x128xf32, #tpu.memory_space<vmem>> -> memref<1x64x128xf32, #tpu.memory_space<vmem>>
    %dma_wait3A_734 = tpu.memref_squeeze %dma_wait3A_733 : memref<1x64x128xf32, #tpu.memory_space<vmem>> -> memref<64x128xf32, #tpu.memory_space<vmem>>
    tpu.wait_dma2 semaphore(%dma_wait3A_728 : memref<!tpu.dma_semaphore, #tpu.memory_space<semaphore_mem>>) src(%dma_wait3A_734 : memref<64x128xf32, #tpu.memory_space<vmem>>) dst(%dma_wait3A_730 : memref<64x128xf32, #tpu.memory_space<hbm>>)
    %add3A_735 = arith.constant 448 : i32
    %add3A_736 = arith.addi %mul3A_2, %add3A_735 : i32
    %dma_wait3A_737 = arith.constant 7 : i32
    %dma_wait3A_738 = arith.constant 128 : i32
    %dma_wait3A_739 = tpu.memref_slice %arg5[%add3A_736, %dma_wait3A_738] : memref<16384x192xf32, #tpu.memory_space<hbm>> -> memref<64x64xf32, #tpu.memory_space<hbm>>
    %dma_wait3A_740 = tpu.memref_slice %arg12[%dma_wait3A_737] : memref<8x!tpu.dma_semaphore, #tpu.memory_space<semaphore_mem>> -> memref<1x!tpu.dma_semaphore, #tpu.memory_space<semaphore_mem>>
    %dma_wait3A_741 = tpu.memref_squeeze %dma_wait3A_740 : memref<1x!tpu.dma_semaphore, #tpu.memory_space<semaphore_mem>> -> memref<!tpu.dma_semaphore, #tpu.memory_space<semaphore_mem>>
    %dma_wait3A_742 = arith.constant 128 : i32
    %dma_wait3A_743 = tpu.memref_slice %arg5[%add3A_736, %dma_wait3A_742] : memref<16384x192xf32, #tpu.memory_space<hbm>> -> memref<64x64xf32, #tpu.memory_space<hbm>>
    tpu.wait_dma2 semaphore(%dma_wait3A_741 : memref<!tpu.dma_semaphore, #tpu.memory_space<semaphore_mem>>) src(%arg8 : memref<64x64xf32, #tpu.memory_space<vmem>>) dst(%dma_wait3A_743 : memref<64x64xf32, #tpu.memory_space<hbm>>)
    return
  }
}

</mosaic_0001>

<sc_bundles>
// kernel: kernel.3.cloned.1.call-start
scs
__scs_entry_jumppad:
0x0: {  	(pc) =	sbr.rel $0x88, $3  }
0x1: {  	(tag) =	ssettag $0x0;
	lr =	simm.s32 $0x1  }
0x2: {  	[smem:$0x3F9E] =	sst lr;
	_ =	strace $0xD0000000  }
0x3: {  	_ = 	snop  }
0x4: {  	_ = 	snop  }
0x5: {  	_ = 	snop  }
0x6: {  	_ = 	snop  }
0x7: {  	_ = 	snop  }
__scs_overlays_trampoline_lowered:
0x8: {  	[smem:$0x3FAD] =	sst s0  }
0x9: {  	[smem:$0x3FAE] =	sst s1  }
0xa: {  	[smem:$0x3FAF] =	sst s2  }
0xb: {  	[smem:$0x3FB0] =	sst s3  }
0xc: {  	[smem:$0x3FB1] =	sst s4  }
0xd: {  	[smem:$0x3FB2] =	sst s5  }
0xe: {  	[smem:$0x3FB3] =	sst s6  }
0xf: {  	[smem:$0x3FB4] =	sst s7  }
0x10: {  	[smem:$0x3FB5] =	sst s8  }
0x11: {  	[smem:$0x3FB6] =	sst s9;
	s0 =	simm.s32 @!p0 $0x0  }
0x12: {  	s1 =	sld [smem:$0x3F9C];
	s0 =	simm.s32 @p0 $0x1  }
0x13: {  	[smem:$0x3FB7] =	sst s0;
	s0 =	simm.s32 @!p1 $0x0  }
0x14: {  	s2 =	sld [smem:$0x3F9B];
	s0 =	simm.s32 @p1 $0x1  }
0x15: {  	[smem:$0x3FB8] =	sst s0;
	s0 =	simm.s32 @!p2 $0x0  }
0x16: {  	s3 =	sld [smem:$0x3FDB];
	s0 =	simm.s32 @p2 $0x1  }
0x17: {  	s4 =	simm.s32 $0x1BF5;
	[smem:$0x3FBA] =	sst s0  }
0x18: {  	s0 =	sld [smem:$0x3F9D];
	_ =	swait.ge [sflag:s4], $0x0  }
0x19: {  	s7 =	sld [smem:$0x3F9E]  }
0x1a: {  	s8 =	sadd.s32 $0xFFFFE003, lr  }
0x1b: {  	s9 =	sadd.s32 $0xFFFFFEF7, lr;
	s5 =	simm.s32 $0xFFFFFFFF;
	p2 =	slt.u32 s8, $0xFFFFF086  }
0x1c: {  	p1 =	slt.u32 s9, $0xF7A;
	s5 =	simm.s32 @!p2 $0x0  }
0x1d: {  	s5 =	simm.s32 @p1 $0x1;
	p0 =	seq.s32 s7, s2  }
0x1e: {  	s7 =	smul.u32 @!p0 $0xF7A, s2;
	p2 =	seq.s32 @!p0 s5, $0x0  }
0x1f: {  	s9 =	smul.u32 $0xF7A, s1;
	s8 =	simm.s32 @!p0 $0x1BF5;
	p2 =	por !p2, p0  }
0x20: {  	[sflag:s8] =	ssyncset.s32 @!p0 $0xFFFFF086;
	s6 =	sadd.s32 @!p0 s3, s7;
	s7 =	simm.s32 @!p0 $0x108  }
0x21: {  	s3 =	sadd.s32 s3, s9;
	s6 =	sadd.s32 @!p0 $0x88, s6;
	s7 =	simm.s32 @p2 $0x1082  }
0x22: {  	[simem:s7], [sflag:s8] =	dma.local @!p0 [hbm:s6], $0xF7A  }
0x23: {  	s9 =	sor.u32 $0xD0000000, s2;
	s6 =	simm.s32 $0x108;
	_ =	swait.ge @!p0 [sflag:s8], $0x0  }
0x24: {  	s3 =	sadd.s32 $0x88, s3;
	s6 =	simm.s32 @!p1 $0x1082;
	[sflag:s4] =	ssyncset.s32 $0xFFFFF086  }
0x25: {  	[simem:s6], [sflag:s4] =	dma.local [hbm:s3], $0xF7A  }
0x26: {  	[smem:$0x3F9E] =	sst s1;
	(tag) =	ssettag s2;
	_ =	strace s9  }
0x27: {  	s1 =	sld [smem:$0x3FAE]  }
0x28: {  	s2 =	sld [smem:$0x3FAF]  }
0x29: {  	s4 =	sld [smem:$0x3FB1]  }
0x2a: {  	p0 =	seq.s32 s5, $0x0;
	s5 =	sld [smem:$0x3FB2]  }
0x2b: {  	s6 =	sld [smem:$0x3FB3]  }
0x2c: {  	s7 =	sld [smem:$0x3FB4]  }
0x2d: {  	s3 =	simm.s32 $0x108;
	s8 =	sld [smem:$0x3FB5]  }
0x2e: {  	s3 =	simm.s32 @!p0 $0x1082;
	s9 =	sld [smem:$0x3FB6]  }
0x2f: {  	lr =	sadd.s32 s0, s3;
	s0 =	sld [smem:$0x3FAD]  }
0x30: {  	s3 =	sld [smem:$0x3FB0]  }
0x31: {  	[smem:$0x3FB9] =	sst s10  }
0x32: {  	s10 =	sld [smem:$0x3FB7];
	_ =	sdelay $0x3  }
0x33: {  	p0 =	seq.s32 s10, $0x1;
	s10 =	sld [smem:$0x3FB9];
	_ =	sdelay $0x3  }
0x34: {  	[smem:$0x3FB9] =	sst s10  }
0x35: {  	s10 =	sld [smem:$0x3FB8];
	_ =	sdelay $0x3  }
0x36: {  	p1 =	seq.s32 s10, $0x1;
	s10 =	sld [smem:$0x3FB9];
	_ =	sdelay $0x3  }
0x37: {  	[smem:$0x3FB9] =	sst s10  }
0x38: {  	s10 =	sld [smem:$0x3FBA]  }
0x39: {  	_ = 	snop;
	(pc) =	sbr.ind lr, $3  }
0x3a: {  	_ = 	snop  }
0x3b: {  	_ = 	snop  }
0x3c: {  	p2 =	seq.s32 s10, $0x1;
	s10 =	sld [smem:$0x3FB9]  }
0x3d: {  	_ =	shalt  }
0x3e: {  	_ =	shalt  }
0x3f: {  	_ =	shalt  }
0x40: {  	_ =	shalt  }
0x41: {  	_ =	shalt  }
0x42: {  	_ =	shalt  }
0x43: {  	_ =	shalt  }
0x44: {  	_ =	shalt  }
0x45: {  	_ =	shalt  }
0x46: {  	_ =	shalt  }
0x47: {  	_ =	shalt  }
0x48: {  	_ =	shalt  }
0x49: {  	_ =	shalt  }
0x4a: {  	_ =	shalt  }
0x4b: {  	_ =	shalt  }
0x4c: {  	_ =	shalt  }
0x4d: {  	_ =	shalt  }
0x4e: {  	_ =	shalt  }
0x4f: {  	_ =	shalt  }
0x50: {  	_ =	shalt  }
0x51: {  	_ =	shalt  }
0x52: {  	_ =	shalt  }
0x53: {  	_ =	shalt  }
0x54: {  	_ =	shalt  }
0x55: {  	_ =	shalt  }
0x56: {  	_ =	shalt  }
0x57: {  	_ =	shalt  }
0x58: {  	_ =	shalt  }
0x59: {  	_ =	shalt  }
0x5a: {  	_ =	shalt  }
0x5b: {  	_ =	shalt  }
0x5c: {  	_ =	shalt  }
0x5d: {  	_ =	shalt  }
0x5e: {  	_ =	shalt  }
0x5f: {  	_ =	shalt  }
0x60: {  	_ =	shalt  }
0x61: {  	_ =	shalt  }
0x62: {  	_ =	shalt  }
0x63: {  	_ =	shalt  }
0x64: {  	_ =	shalt  }
0x65: {  	_ =	shalt  }
0x66: {  	_ =	shalt  }
0x67: {  	_ =	shalt  }
0x68: {  	_ =	shalt  }
0x69: {  	_ =	shalt  }
0x6a: {  	_ =	shalt  }
0x6b: {  	_ =	shalt  }
0x6c: {  	_ =	shalt  }
0x6d: {  	_ =	shalt  }
0x6e: {  	_ =	shalt  }
0x6f: {  	_ =	shalt  }
0x70: {  	_ =	shalt  }
0x71: {  	_ =	shalt  }
0x72: {  	_ =	shalt  }
0x73: {  	_ =	shalt  }
0x74: {  	_ =	shalt  }
0x75: {  	_ =	shalt  }
0x76: {  	_ =	shalt  }
0x77: {  	_ =	shalt  }
0x78: {  	_ =	shalt  }
0x79: {  	_ =	shalt  }
0x7a: {  	_ =	shalt  }
0x7b: {  	_ =	shalt  }
0x7c: {  	_ =	shalt  }
0x7d: {  	_ =	shalt  }
0x7e: {  	_ =	shalt  }
0x7f: {  	_ =	shalt  }
0x80: {  	_ =	shalt  }
0x81: {  	_ =	shalt  }
0x82: {  	_ =	shalt  }
0x83: {  	_ =	shalt  }
0x84: {  	_ =	shalt  }
0x85: {  	_ =	shalt  }
0x86: {  	_ =	shalt  }
0x87: {  	_ =	shalt  }
.Lfunc_end0:
.L_simem_size_0:
called_computation_lowered:
.L_overlay_start_0:
0x88: {  	s2 =	sld [smem:$0x3FD9]  }
0x89: {  	s3 =	sld [smem:$0x3FFE];
	_ =	sdelay $0x1  }
0x8a: {  	s1 =	srdreg.scid  }
0x8b: {  	s0 =	sand.u32 $0x1, s1  }
0x8c: {  	s17 =	sshll.u32 s0, $0xA;
	s2 =	sadd.s32 s3, s2  }
0x8d: {  	s2 =	sadd.s32 s2, s17  }
0x8e: {  	[smem:$0x3FC5] =	sst s2  }
0x8f: {  	_ = 	snop  }
0x90: {  	s2 =	sld [smem:$0x3FC9]  }
0x91: {  	s18 =	sld [smem:$0x3FD0];
	(tm) =	ssettm $0x1  }
0x92: {  	s4 =	sld [smem:$0x3FFB];
	_ =	sdelay $0x3  }
0x93: {  	_ =	strace s4  }
0x94: {  	s4 =	sld [smem:$0x3FFC];
	_ =	sdelay $0x3  }
0x95: {  	_ =	strace s4  }
0x96: {  	s4 =	sld [smem:$0x3FFD];
	_ =	sdelay $0x3  }
0x97: {  	_ =	strace s4  }
0x98: {  	_ =	strace $0x8FFFFFFF  }
0x99: {  	s19 =	sld [smem:$0x3FDB];
	_ =	sdelay $0x1  }
0x9a: {  	s5 =	simm.s32 $_scs_section_size  }
0x9b: {  	s6 =	simm.s32 $_size__tile_overlayer_lowered;
	s7 =	simm.s32 $_tile_overlayer_lowered  }
0x9c: {  	s22 =	simm.s32 $0x1BFF;
	s21 =	sshll.u32 s7, $0x1;
	s4 =	sadd.s32 s5, s19  }
0x9d: {  	s8 =	simm.s32 $0x0;
	s20 =	sshll.u32 s6, $0x1;
	s6 =	sadd.s32 s21, s4  }
0x9e: {  	[timem:s8], [sflag:s22] =	dma.local [hbm:s6], s20  }
0x9f: {  	_ =	swait.ge [sflag:s22], s20  }
0xa0: {  	s5 =	ssub.s32 $0x0, s20;
	[sflag:s22] =	ssyncset.done $0x0  }
0xa1: {  	[sflag:s22] =	ssyncadd.s32 s5;
	_ =	sdelay $0x1  }
0xa2: {  	s23 =	simm.s32 $0x1B8B  }
0xa3: {  	_ =	swait.ge [sflag:s23], $0x1  }
0xa4: {  	[sflag:s23] =	ssyncset.done $0x0  }
0xa5: {  	s25 =	simm.s32 $0x1B8E;
	s24 =	sld [smem:$0x3FFE];
	[sflag:s23] =	ssyncadd.s32 $0xFFFFFFFF  }
0xa6: {  	s26 =	simm.s32 $execute0_lowered;
	[smem:$0x3FD2] =	sst s25  }
0xa7: {  	s6 =	sshll.u32 s26, $0x1;
	_ =	strace $0x80000046;
	[dreg:$0x1] =	wrdreg $0xFFFFFFFF  }
0xa8: {  	s28 =	simm.s32 $_size_execute0_lowered;
	s4 =	sadd.s32 s4, s6;
	[dreg:$0x0] =	wrdreg $0x0  }
0xa9: {  	s6 =	sshll.u32 s28, $0x1;
	[dreg:$0x2] =	wrdreg s4  }
0xaa: {  	[dreg:$0x3] =	wrdreg s6  }
0xab: {  	[dreg:$0x4] =	wrdreg $0xC0  }
0xac: {  	_ =	task [dreg:s8], $0x5FFFF  }
0xad: {  	[dreg:$0x1] =	wrdreg $0xFFFFFFFF  }
0xae: {  	[dreg:$0x0] =	wrdreg $0x60  }
0xaf: {  	[dreg:$0x2] =	wrdreg s24  }
0xb0: {  	[dreg:$0x3] =	wrdreg s18  }
0xb1: {  	[dreg:$0x4] =	wrdreg s2  }
0xb2: {  	[dreg:$0x5] =	wrdreg $0x9  }
0xb3: {  	_ =	task.clear_ibuf [dreg:s8], $0x6FFFF;
	_ =	strace $0x90000046  }
0xb4: {  	s29 =	simm.s32 $0x9;
	_ =	strace $0x80000048  }
0xb5: {  	_ =	swait.ge [sflag:s29], $0x1  }
0xb6: {  	[sflag:s29] =	ssyncadd.s32 $0xFFFFFFFF  }
0xb7: {  	_ =	strace $0x90000048  }
0xb8: {  	_ =	sfence  }
0xb9: {  	s30 =	sld [smem:$0x0];
	_ =	sdelay $0x2  }
0xba: {  	s31 =	sshll.u32 s1, $0xD;
	s1 =	sshrl.u32 s1, $0x2  }
0xbb: {  	s3 =	sand.u32 $0x4000, s31;
	s1 =	sadd.s32 s1, s30  }
0xbc: {  	s0 =	sor.u32 s3, s0;
	s1 =	sshll.u32 s1, $0x11  }
0xbd: {  	s0 =	sor.u32 s1, s0  }
0xbe: {  	s0 =	sadd.s32 $0x8F2B, s0  }
0xbf: {  	[sflag:s0] =	ssyncadd.remote.s32 $0x1  }
0xc0: {  	_ =	sfence.sel $0xFFFF  }
0xc1: {  	[dreg:$0x0] =	wrdreg $0xFFFFFFFF;
	(pc) =	sbr.abs _section_cstart, $3  }
0xc2: {  	[dreg:$0x1] =	wrdreg $0xFFFFFFFF  }
0xc3: {  	_ =	task.clear_ibuf [dreg:s8], $0x2FFFF;
	_ =	strace $0x9FFFFFFF  }
0xc4: {  	(tm) =	ssettm $0x7FFFFFFF  }
0xc5: {  	_ =	shalt  }
tec
execute0_lowered:
.L_overlay_start_1:
0x0: {  	(tag) =	ssettag $0x1  }
0x1: {  	s0 =	srdreg.scid;
	s3 =	rddreg [dreg:$0x0]  }
0x2: {  	s1 =	stileid.u32;
	s4 =	rddreg [dreg:$0x2]  }
0x3: {  	s28 =	simm.s32 $0x14;
	s31 =	simm.s32 $0xD;
	s29 =	simm.s32 $0xE  }
0x4: {  	s30 =	simm.s32 $0xF;
	s0 =	sand.u32 $0x1, s0;
	s1 =	sshll.u32 s1, $0xA  }
0x5: {  	s24 =	sadd.s32 $0x680, s3;
	s2 =	sshll.u32 s0, $0x9;
	s0 =	ssub.s32 $0x2, s0  }
0x6: {  	s2 =	sor.u32 s2, s1;
	s1 =	simm.s32 $0x0;
	s7 =	sshrl.u32 s0, $0x1  }
0x7: {  	s5 =	sshrl.u32 s2, $0x3;
	[smem:$0x7FF] =	sst s1;
	s8 =	sshll.u32 s2, $0x4  }
0x8: {  	s0 =	ssub.s32 s0, s7;
	s2 =	sshll.u32 s2, $0x5;
	s6 =	sor.u32 $0x8, s5  }
0x9: {  	s13 =	sadd.s32 s4, s8;
	s15 =	sor.u32 $0x10, s5;
	s16 =	sor.u32 $0x18, s5  }
0xa: {  	s17 =	sor.u32 $0x20, s5;
	s20 =	sor.u32 $0x28, s5;
	s21 =	sor.u32 $0x30, s5  }
0xb: {  	s5 =	sor.u32 $0x38, s5;
	s25 =	sadd.s32 s2, s24;
	s0 =	smax.u32 s0, $0x1  }
0xc: {  	s9 =	sshll.u32 s6, $0x7;
	[dreg:$0x4] =	wrdreg s13;
	s10 =	sshll.u32 s15, $0x7  }
0xd: {  	s11 =	sshll.u32 s16, $0x7;
	[dreg:$0xc] =	wrdreg s25;
	s14 =	sadd.s32 s4, s9  }
0xe: {  	s12 =	sshll.u32 s17, $0x7;
	s10 =	sadd.s32 s4, s10;
	[dreg:$0x5] =	wrdreg s14  }
0xf: {  	s22 =	sshll.u32 s20, $0x7;
	s18 =	sadd.s32 s4, s11;
	[dreg:$0x6] =	wrdreg s10  }
0x10: {  	s13 =	sshll.u32 s21, $0x7;
	s19 =	sadd.s32 s4, s12;
	[dreg:$0x7] =	wrdreg s18  }
0x11: {  	s6 =	sshll.u32 s6, $0x8;
	s12 =	sadd.s32 s4, s22;
	[dreg:$0x8] =	wrdreg s19  }
0x12: {  	s7 =	sshll.u32 s15, $0x8;
	s23 =	sadd.s32 s4, s13;
	[dreg:$0x9] =	wrdreg s12  }
0x13: {  	s8 =	sshll.u32 s16, $0x8;
	s26 =	sadd.s32 s6, s24;
	[dreg:$0xa] =	wrdreg s23  }
0x14: {  	s13 =	sadd.s32 s7, s24;
	s9 =	sshll.u32 s17, $0x8;
	[dreg:$0xd] =	wrdreg s26  }
0x15: {  	s11 =	sshll.u32 s21, $0x8;
	s14 =	sshll.u32 s5, $0x7;
	[dreg:$0xe] =	wrdreg s13  }
0x16: {  	s15 =	sadd.s32 s9, s24;
	s10 =	sshll.u32 s20, $0x8;
	s5 =	sshll.u32 s5, $0x8  }
0x17: {  	s17 =	sadd.s32 s11, s24;
	s18 =	sadd.s32 $0x600, s3;
	s26 =	sadd.s32 $0x400, s3  }
0x18: {  	s12 =	simm.s32 $0xC480;
	s13 =	simm.s32 $0xE480;
	[dreg:$0x10] =	wrdreg s15  }
0x19: {  	s3 =	simm.s32 $0x18;
	s4 =	sadd.s32 s4, s14;
	[dreg:$0x12] =	wrdreg s17  }
0x1a: {  	s14 =	sadd.s32 s8, s24;
	s16 =	sadd.s32 s10, s24;
	[dreg:$0xb] =	wrdreg s4  }
0x1b: {  	s2 =	sadd.s32 s18, s2;
	s19 =	sadd.s32 s18, s6;
	[dreg:$0xf] =	wrdreg s14  }
0x1c: {  	s20 =	sadd.s32 s18, s7;
	s21 =	sadd.s32 s18, s8;
	[dreg:$0x11] =	wrdreg s16  }
0x1d: {  	s22 =	sadd.s32 s18, s9;
	s23 =	sadd.s32 s18, s10;
	[dreg:$0x14] =	wrdreg s2  }
0x1e: {  	s25 =	sadd.s32 s18, s5;
	s10 =	simm.s32 $0x8480;
	[dreg:$0x15] =	wrdreg s19  }
0x1f: {  	s15 =	simm.s32 $0x12480;
	s17 =	simm.s32 $0x16480;
	[dreg:$0x16] =	wrdreg s20  }
0x20: {  	s6 =	simm.s32 $0x19;
	s7 =	simm.s32 $0x400;
	[dreg:$0x17] =	wrdreg s21  }
0x21: {  	s8 =	simm.s32 $0x800;
	s9 =	simm.s32 $0x6480;
	[dreg:$0x18] =	wrdreg s22  }
0x22: {  	s4 =	sadd.s32 s5, s24;
	[dreg:$0x19] =	wrdreg s23;
	s24 =	sadd.s32 s18, s11  }
0x23: {  	[dreg:$0x1b] =	wrdreg s25;
	s11 =	simm.s32 $0xA480;
	s14 =	simm.s32 $0x10480  }
0x24: {  	s16 =	simm.s32 $0x14480;
	s18 =	simm.s32 $0x9;
	s19 =	simm.s32 $0x11  }
0x25: {  	s21 =	simm.s32 $0xA;
	s22 =	simm.s32 $0x12;
	s23 =	simm.s32 $0xB  }
0x26: {  	s25 =	simm.s32 $0x13;
	s20 =	simm.s32 $0x15;
	[dreg:$0x13] =	wrdreg s4  }
0x27: {  	s2 =	simm.s32 $0x10;
	[dreg:$0x1a] =	wrdreg s24;
	s24 =	simm.s32 $0x17  }
0x28: {  	s4 =	simm.s32 $0x0;
	_ =	strace $0x80000047;
	[dreg:$0x1c] =	wrdreg s26  }
0x29: {  	[dreg:$0x1d] =	wrdreg s0;
	s26 =	simm.s32 $0xC;
	s0 =	simm.s32 $0x16  }
.LBB2_1:
0x2a: {  	s5 =	rddreg [dreg:$0x4]  }
0x2b: {  	[tilespmem:s10], [sflag:$0x1] =	stream.linear.gather [hbm4b:s5+s1], $0x2000, $0x38;
	[tilespmem:$0x18480] =	vst v63  }
0x2c: {  	s10 =	rddreg [dreg:$0x5]  }
0x2d: {  	[tilespmem:s11], [sflag:$0x2] =	stream.linear.gather [hbm4b:s10+s1], $0x2000, $0x38;
	[tilespmem:$0x18480] =	vst v63  }
0x2e: {  	s11 =	rddreg [dreg:$0x6]  }
0x2f: {  	[tilespmem:s12], [sflag:$0x3] =	stream.linear.gather [hbm4b:s11+s1], $0x2000, $0x38;
	[tilespmem:$0x18480] =	vst v63  }
0x30: {  	s12 =	rddreg [dreg:$0x7]  }
0x31: {  	[tilespmem:s13], [sflag:$0x4] =	stream.linear.gather [hbm4b:s12+s1], $0x2000, $0x38;
	[tilespmem:$0x18480] =	vst v63  }
0x32: {  	s10 =	rddreg [dreg:$0x8]  }
0x33: {  	[tilespmem:s14], [sflag:$0x5] =	stream.linear.gather [hbm4b:s10+s1], $0x2000, $0x38;
	[tilespmem:$0x18480] =	vst v63  }
0x34: {  	s11 =	rddreg [dreg:$0x9]  }
0x35: {  	[tilespmem:s15], [sflag:$0x6] =	stream.linear.gather [hbm4b:s11+s1], $0x2000, $0x38;
	[tilespmem:$0x18480] =	vst v63  }
0x36: {  	s12 =	rddreg [dreg:$0xa]  }
0x37: {  	[tilespmem:s16], [sflag:$0x7] =	stream.linear.gather [hbm4b:s12+s1], $0x2000, $0x38;
	[tilespmem:$0x18480] =	vst v63  }
0x38: {  	s13 =	rddreg [dreg:$0xb]  }
0x39: {  	[tilespmem:s17], [sflag:$0x8] =	stream.linear.gather [hbm4b:s13+s1], $0x2000, $0x38;
	[tilespmem:$0x18480] =	vst v63  }
0x3a: {  	s14 =	rddreg [dreg:$0x1];
	s15 =	simm.s32 $0x80  }
0x3b: {  	[tilespmem:s15], [sflag:$0x19] =	stream.linear.gather [hbm4b:s14+s1], $0x6400, $0x38;
	[tilespmem:$0x18480] =	vst v63  }
0x3c: {  	_ =	swait.ge [sflag:s6], $0x6400  }
0x3d: {  	[sflag:s6] =	ssyncset.done $0x0  }
0x3e: {  	s16 =	rddreg [dreg:$0x1c];
	[sflag:s6] =	ssyncadd.s32 $0xFFFF9C00  }
0x3f: {  	[tilespmem:s1], [sflag:$0x19] =	stream.linear.gather [hbm4b:s16+s1], $0x80, $0x38;
	[tilespmem:$0x18480] =	vst v63  }
0x40: {  	_ =	swait.ge [sflag:s6], $0x80  }
0x41: {  	[sflag:s6] =	ssyncset.done $0x0  }
0x42: {  	[sflag:s6] =	ssyncadd.s32 $0xFFFFFF80  }
0x43: {  	v0 =	vld [tilespmem:$0x0];
	_ =	sdelay $0x4  }
0x44: {  	(v2sf) =	vpush v0, $0x0;
	_ =	sdelay $0xe  }
0x45: {  	s17 =	spop (v2sf)  }
0x46: {  	s5 =	sshll.u32 s17, $0x9  }
0x47: {  	s5 =	sshra.s32 s5, $0x2  }
0x48: {  	v3 =	vld [tilespmem:s5+$0xB0]  }
0x49: {  	v2 =	vld [tilespmem:s5+$0xA0]  }
0x4a: {  	v0 =	vld [tilespmem:s5+$0x80]  }
0x4b: {  	v1 =	vld [tilespmem:s5+$0x90]  }
0x4c: {  	s10 =	simm.s32 $0x200;
	s5 =	simm.s32 $0x0  }
.LBB2_2:
0x4d: {  	p0 =	sne.s32 s10, $0x7E00;
	[tilespmem:s5+$0x64B0] =	vst v3;
	s11 =	smov.u32 s10;
	s10 =	sadd.s32 $0x200, s10  }
.Ltmp0:
0x4e: {  	[tilespmem:s5+$0x64A0] =	vst v2;
	(pc) =	sbr.rel @p0 .LBB2_2-.Ltmp0, $3  }
0x4f: {  	[tilespmem:s5+$0x6480] =	vst v0  }
0x50: {  	[tilespmem:s5+$0x6490] =	vst v1;
	_ =	sdelay $0x1  }
0x51: {  	s5 =	sshra.s32 s11, $0x2  }
0x52: {  	[tilespmem:s5+$0x64B0] =	vst v3  }
0x53: {  	[tilespmem:s5+$0x64A0] =	vst v2  }
0x54: {  	[tilespmem:s5+$0x6480] =	vst v0  }
0x55: {  	[tilespmem:s5+$0x6490] =	vst v1;
	s10 =	rddreg [dreg:$0xc]  }
0x56: {  	[hbm4b:s10+s7] =	stream.strided.scatter [tilespmem:s9], [sflag:$0x11], $0x2000, s8, s7, $0x38;
	[tilespmem:$0x18480] =	vst v63  }
0x57: {  	s11 =	rddreg [dreg:$0xd]  }
0x58: {  	[hbm4b:s11+s7] =	stream.strided.scatter [tilespmem:s9], [sflag:$0x12], $0x2000, s8, s7, $0x38;
	[tilespmem:$0x18480] =	vst v63  }
0x59: {  	s12 =	rddreg [dreg:$0xe]  }
0x5a: {  	[hbm4b:s12+s7] =	stream.strided.scatter [tilespmem:s9], [sflag:$0x13], $0x2000, s8, s7, $0x38;
	[tilespmem:$0x18480] =	vst v63  }
0x5b: {  	s13 =	rddreg [dreg:$0xf]  }
0x5c: {  	[hbm4b:s13+s7] =	stream.strided.scatter [tilespmem:s9], [sflag:$0x14], $0x2000, s8, s7, $0x38;
	[tilespmem:$0x18480] =	vst v63  }
0x5d: {  	s14 =	rddreg [dreg:$0x10]  }
0x5e: {  	[hbm4b:s14+s7] =	stream.strided.scatter [tilespmem:s9], [sflag:$0x15], $0x2000, s8, s7, $0x38;
	[tilespmem:$0x18480] =	vst v63  }
0x5f: {  	s15 =	rddreg [dreg:$0x11]  }
0x60: {  	[hbm4b:s15+s7] =	stream.strided.scatter [tilespmem:s9], [sflag:$0x16], $0x2000, s8, s7, $0x38;
	[tilespmem:$0x18480] =	vst v63  }
0x61: {  	s16 =	rddreg [dreg:$0x12]  }
0x62: {  	[hbm4b:s16+s7] =	stream.strided.scatter [tilespmem:s9], [sflag:$0x17], $0x2000, s8, s7, $0x38;
	[tilespmem:$0x18480] =	vst v63  }
0x63: {  	s17 =	rddreg [dreg:$0x13];
	s10 =	simm.s32 $0x1  }
0x64: {  	[hbm4b:s17+s7] =	stream.strided.scatter [tilespmem:s9], [sflag:$0x18], $0x2000, s8, s7, $0x38;
	[tilespmem:$0x18480] =	vst v63  }
0x65: {  	_ =	swait.ge [sflag:s10], $0x2000  }
0x66: {  	s12 =	simm.s32 $0x2;
	[sflag:s10] =	ssyncset.done $0x0  }
0x67: {  	s11 =	rddreg [dreg:$0x14];
	[sflag:s10] =	ssyncadd.s32 $0xFFFFE000;
	s10 =	simm.s32 $0x8480  }
0x68: {  	[hbm4b:s11+s7] =	stream.strided.scatter [tilespmem:s10], [sflag:$0x9], $0x2000, s8, s7, $0x38;
	[tilespmem:$0x18480] =	vst v63  }
0x69: {  	_ =	swait.ge [sflag:s12], $0x2000  }
0x6a: {  	s14 =	simm.s32 $0x3;
	[sflag:s12] =	ssyncset.done $0x0  }
0x6b: {  	s11 =	simm.s32 $0xA480;
	s13 =	rddreg [dreg:$0x15];
	[sflag:s12] =	ssyncadd.s32 $0xFFFFE000  }
0x6c: {  	[hbm4b:s13+s7] =	stream.strided.scatter [tilespmem:s11], [sflag:$0xA], $0x2000, s8, s7, $0x38;
	[tilespmem:$0x18480] =	vst v63  }
0x6d: {  	_ =	swait.ge [sflag:s14], $0x2000  }
0x6e: {  	s16 =	simm.s32 $0x4;
	[sflag:s14] =	ssyncset.done $0x0  }
0x6f: {  	s12 =	simm.s32 $0xC480;
	s15 =	rddreg [dreg:$0x16];
	[sflag:s14] =	ssyncadd.s32 $0xFFFFE000  }
0x70: {  	[hbm4b:s15+s7] =	stream.strided.scatter [tilespmem:s12], [sflag:$0xB], $0x2000, s8, s7, $0x38;
	[tilespmem:$0x18480] =	vst v63  }
0x71: {  	_ =	swait.ge [sflag:s16], $0x2000  }
0x72: {  	s13 =	simm.s32 $0xE480;
	[sflag:s16] =	ssyncset.done $0x0  }
0x73: {  	s14 =	simm.s32 $0x5;
	s17 =	rddreg [dreg:$0x17];
	[sflag:s16] =	ssyncadd.s32 $0xFFFFE000  }
0x74: {  	[hbm4b:s17+s7] =	stream.strided.scatter [tilespmem:s13], [sflag:$0xC], $0x2000, s8, s7, $0x38;
	[tilespmem:$0x18480] =	vst v63  }
0x75: {  	_ =	swait.ge [sflag:s14], $0x2000  }
0x76: {  	s16 =	simm.s32 $0x6;
	[sflag:s14] =	ssyncset.done $0x0  }
0x77: {  	s15 =	rddreg [dreg:$0x18];
	[sflag:s14] =	ssyncadd.s32 $0xFFFFE000;
	s14 =	simm.s32 $0x10480  }
0x78: {  	[hbm4b:s15+s7] =	stream.strided.scatter [tilespmem:s14], [sflag:$0xD], $0x2000, s8, s7, $0x38;
	[tilespmem:$0x18480] =	vst v63  }
0x79: {  	_ =	swait.ge [sflag:s16], $0x2000  }
0x7a: {  	s15 =	simm.s32 $0x12480;
	[sflag:s16] =	ssyncset.done $0x0  }
0x7b: {  	s17 =	rddreg [dreg:$0x19];
	[sflag:s16] =	ssyncadd.s32 $0xFFFFE000;
	s16 =	simm.s32 $0x7  }
0x7c: {  	[hbm4b:s17+s7] =	stream.strided.scatter [tilespmem:s15], [sflag:$0xE], $0x2000, s8, s7, $0x38;
	[tilespmem:$0x18480] =	vst v63  }
0x7d: {  	_ =	swait.ge [sflag:s16], $0x2000  }
0x7e: {  	[sflag:s16] =	ssyncset.done $0x0  }
0x7f: {  	s17 =	rddreg [dreg:$0x1a];
	[sflag:s16] =	ssyncadd.s32 $0xFFFFE000;
	s16 =	simm.s32 $0x14480  }
0x80: {  	[hbm4b:s17+s7] =	stream.strided.scatter [tilespmem:s16], [sflag:$0xF], $0x2000, s8, s7, $0x38;
	[tilespmem:$0x18480] =	vst v63  }
0x81: {  	s17 =	simm.s32 $0x8  }
0x82: {  	_ =	swait.ge [sflag:s17], $0x2000  }
0x83: {  	[sflag:s17] =	ssyncset.done $0x0  }
0x84: {  	s5 =	rddreg [dreg:$0x1b];
	[sflag:s17] =	ssyncadd.s32 $0xFFFFE000;
	s17 =	simm.s32 $0x16480  }
0x85: {  	[hbm4b:s5+s7] =	stream.strided.scatter [tilespmem:s17], [sflag:$0x10], $0x2000, s8, s7, $0x38;
	[tilespmem:$0x18480] =	vst v63  }
0x86: {  	_ =	swait.ge [sflag:s18], $0x2000  }
0x87: {  	[sflag:s18] =	ssyncset.done $0x0  }
0x88: {  	[sflag:s18] =	ssyncadd.s32 $0xFFFFE000  }
0x89: {  	_ =	swait.ge [sflag:s19], $0x2000  }
0x8a: {  	[sflag:s19] =	ssyncset.done $0x0  }
0x8b: {  	[sflag:s19] =	ssyncadd.s32 $0xFFFFE000  }
0x8c: {  	_ =	swait.ge [sflag:s21], $0x2000  }
0x8d: {  	[sflag:s21] =	ssyncset.done $0x0  }
0x8e: {  	[sflag:s21] =	ssyncadd.s32 $0xFFFFE000  }
0x8f: {  	_ =	swait.ge [sflag:s22], $0x2000  }
0x90: {  	[sflag:s22] =	ssyncset.done $0x0  }
0x91: {  	[sflag:s22] =	ssyncadd.s32 $0xFFFFE000  }
0x92: {  	_ =	swait.ge [sflag:s23], $0x2000  }
0x93: {  	[sflag:s23] =	ssyncset.done $0x0  }
0x94: {  	[sflag:s23] =	ssyncadd.s32 $0xFFFFE000  }
0x95: {  	_ =	swait.ge [sflag:s25], $0x2000  }
0x96: {  	[sflag:s25] =	ssyncset.done $0x0  }
0x97: {  	[sflag:s25] =	ssyncadd.s32 $0xFFFFE000  }
0x98: {  	_ =	swait.ge [sflag:s26], $0x2000  }
0x99: {  	[sflag:s26] =	ssyncset.done $0x0  }
0x9a: {  	[sflag:s26] =	ssyncadd.s32 $0xFFFFE000  }
0x9b: {  	_ =	swait.ge [sflag:s28], $0x2000  }
0x9c: {  	[sflag:s28] =	ssyncset.done $0x0  }
0x9d: {  	[sflag:s28] =	ssyncadd.s32 $0xFFFFE000  }
0x9e: {  	_ =	swait.ge [sflag:s31], $0x2000  }
0x9f: {  	[sflag:s31] =	ssyncset.done $0x0  }
0xa0: {  	[sflag:s31] =	ssyncadd.s32 $0xFFFFE000  }
0xa1: {  	_ =	swait.ge [sflag:s20], $0x2000  }
0xa2: {  	[sflag:s20] =	ssyncset.done $0x0  }
0xa3: {  	[sflag:s20] =	ssyncadd.s32 $0xFFFFE000  }
0xa4: {  	_ =	swait.ge [sflag:s29], $0x2000  }
0xa5: {  	[sflag:s29] =	ssyncset.done $0x0  }
0xa6: {  	[sflag:s29] =	ssyncadd.s32 $0xFFFFE000  }
0xa7: {  	_ =	swait.ge [sflag:s0], $0x2000  }
0xa8: {  	[sflag:s0] =	ssyncset.done $0x0  }
0xa9: {  	[sflag:s0] =	ssyncadd.s32 $0xFFFFE000  }
0xaa: {  	_ =	swait.ge [sflag:s30], $0x2000  }
0xab: {  	[sflag:s30] =	ssyncset.done $0x0  }
0xac: {  	[sflag:s30] =	ssyncadd.s32 $0xFFFFE000  }
0xad: {  	_ =	swait.ge [sflag:s24], $0x2000  }
0xae: {  	[sflag:s24] =	ssyncset.done $0x0  }
0xaf: {  	[sflag:s24] =	ssyncadd.s32 $0xFFFFE000  }
0xb0: {  	_ =	swait.ge [sflag:s2], $0x2000  }
0xb1: {  	[sflag:s2] =	ssyncset.done $0x0  }
0xb2: {  	[sflag:s2] =	ssyncadd.s32 $0xFFFFE000  }
0xb3: {  	_ =	swait.ge [sflag:s3], $0x2000  }
0xb4: {  	s4 =	sadd.s32 $0x1, s4;
	s5 =	rddreg [dreg:$0x1d]  }
0xb5: {  	p0 =	sne.s32 s4, s5  }
.Ltmp1:
0xb6: {  	_ = 	snop;
	(pc) =	sbr.rel @p0 .LBB2_1-.Ltmp1, $3  }
0xb7: {  	_ =	sdelay $0x1  }
0xb8: {  	[sflag:s3] =	ssyncset.done $0x0  }
0xb9: {  	[sflag:s3] =	ssyncadd.s32 $0xFFFFE000  }
0xba: {  	_ =	sfence.sel $0x180000  }
0xbb: {  	[bflag:$0x0] =	sbarrier.arrive $0xFFFF  }
0xbc: {  	_ =	strace $0x90000047  }
0xbd: {  	s0 =	stileid.u32;
	[bflag:$0x2] =	sbarrier.arrive $0xFFFF  }
0xbe: {  	p0 =	sne.s32 s0, $0x0;
	s0 =	rddreg [dreg:$0x3]  }
0xbf: {  	s0 =	sadd.s32 @!p0 $0x100000, s0  }
0xc0: {  	[sflag:s0] =	ssyncadd.tile.s32 @!p0 $0x1;
	_ =	shalt  }
.Lfunc_end2:
_tile_overlayer_lowered:
.L_overlay_start_2:
0xc1: {  	(tag) =	ssettag $0x2  }
0xc2: {  	s0 =	rddreg [dreg:$0x0];
	s2 =	stileid.u32  }
0xc3: {  	s1 =	rddreg [dreg:$0x1];
	p0 =	sne.s32 s2, $0x0  }
0xc4: {  	s3 =	rddreg [dreg:$0x2];
	[bflag:$0x3] =	sbarrier.arrive $0xFFFF;
	s2 =	simm.s32 @!p0 $0x1C19  }
0xc5: {  	[timem:s3], [sflag:s2] =	dma.local @!p0 [hbm:s0], s1  }
0xc6: {  	s0 =	simm.s32 @!p0 $0x19  }
0xc7: {  	_ =	swait.ge @!p0 [sflag:s0], s1  }
0xc8: {  	s1 =	ssub.s32 @!p0 $0x0, s1;
	[sflag:s0] =	ssyncset.done @!p0 $0x0  }
0xc9: {  	[sflag:s0] =	ssyncadd.s32 @!p0 s1  }
0xca: {  	[bflag:$0x3] =	sbarrier.arrive $0xFFFF  }
0xcb: {  	_ =	shalt  }

</sc_bundles>
